<compile_context>
chip_gen: v7x
topology: tpu7x:2x2x1
jax: 0.10.2.dev20260603
libtpu: 0.0.44.dev20260713+nightly
codegen_flags: <defaults>
</compile_context>

<pallas_src>
import functools

import jax
import jax.numpy as jnp
from jax import lax
from jax.experimental import pallas as pl
from jax.experimental.pallas import tpu as pltpu
from jax.experimental.pallas import tpu_sc as plsc

N, RANK, CSUB, CFULL = 4096, 8, 16, 384
PSEUDO = 10.0

NC, NS, L = 2, 16, 16
NW = NC * NS
SPW = N // NW
NB = SPW // L
ACC = RANK * CFULL


@functools.partial(
    pl.kernel,
    out_type=jax.ShapeDtypeStruct((NW * ACC,), jnp.float32),
    mesh=plsc.VectorSubcoreMesh(core_axis_name="c", subcore_axis_name="s"),
    compiler_params=pltpu.CompilerParams(needs_layout_passes=False),
    scratch_types=[
        pltpu.VMEM((RANK * CSUB, SPW), jnp.float32),
        pltpu.VMEM((CSUB, SPW), jnp.int32),
        pltpu.VMEM((SPW,), jnp.float32),
        pltpu.VMEM((ACC,), jnp.float32),
        pltpu.SemaphoreType.DMA,
    ],
)
def _sc_partials(feat_hbm, ch_hbm, w_hbm, out_hbm,
                 feat_v, ch_v, w_v, acc_v, sem_in):
    cid = lax.axis_index("c")
    sid = lax.axis_index("s")
    wid = cid * NS + sid
    base = wid * SPW

    cp_f = pltpu.async_copy(feat_hbm.at[:, pl.ds(base, SPW)], feat_v, sem_in)
    cp_c = pltpu.async_copy(ch_hbm.at[:, pl.ds(base, SPW)], ch_v, sem_in)
    cp_w = pltpu.async_copy(w_hbm.at[pl.ds(base, SPW)], w_v, sem_in)

    def zero_body(i, _):
        acc_v[pl.ds(pl.multiple_of(i * L, L), L)] = jnp.zeros((L,), jnp.float32)
        return 0
    lax.fori_loop(0, ACC // L, zero_body, 0)

    cp_f.wait()
    cp_c.wait()
    cp_w.wait()

    @plsc.parallel_loop(0, NB, unroll=2)
    def block_body(b):
        n0 = pl.multiple_of(b * L, L)
        wv = w_v[pl.ds(n0, L)]
        ch_cur = ch_v[0, pl.ds(n0, L)]
        for j in range(CSUB):
            if j < CSUB - 1:
                ch_nxt = ch_v[j + 1, pl.ds(n0, L)]
                keep = ch_cur != ch_nxt
            else:
                ch_nxt = ch_cur
                keep = None
            rows = [feat_v[r * CSUB + j, pl.ds(n0, L)] for r in range(RANK)]
            idxs = [ch_cur + r * CFULL for r in range(RANK)]
            vals = [row * wv for row in rows]
            for r in range(RANK):
                plsc.addupdate_scatter(acc_v, [idxs[r]], vals[r], mask=keep)
            ch_cur = ch_nxt

    pltpu.sync_copy(acc_v, out_hbm.at[pl.ds(wid * ACC, ACC)])


def _finish_body(p_ref, w_ref, nm_ref, o_ref):
    total_w = jnp.sum(w_ref[...])
    s = jnp.sum(p_ref[...], axis=0)
    o_ref[...] = (s + PSEUDO * nm_ref[...]) * (1.0 / (PSEUDO + total_w))


def kernel(features, channels, weights, noise_mean_full):
    feat_t = features.transpose(1, 2, 0).reshape(RANK * CSUB, N)
    ch_t = channels.astype(jnp.int32).transpose(1, 0)
    partials = _sc_partials(feat_t, ch_t, weights)
    p3 = partials.reshape(NW, ACC // 128, 128)
    nm24 = noise_mean_full.reshape(ACC // 128, 128)
    out24 = pl.pallas_call(
        _finish_body,
        out_shape=jax.ShapeDtypeStruct((ACC // 128, 128), jnp.float32),
    )(p3, weights.reshape(NW, SPW), nm24)
    return out24.reshape(RANK, CFULL)

# --- scband reference (transcript-rebuilt; emitter-appended) ---
"""Pipeline reference for scband-spike-mixture-model-34737695490525 (READ-ONLY COPY).

The authoritative reference and input builder live on the scoring server;
editing this copy changes nothing except your own understanding.
"""

import jax, jax.numpy as jnp
import numpy as np

N, RANK, CSUB, CFULL = 4096, 8, 16, 384
PSEUDO = 10.0


def setup_inputs(seed: int = 0) -> dict:
    key = jax.random.key(seed)
    k1, k2, k3, k4 = jax.random.split(key, 4)
    features = jax.random.normal(k1, (N, RANK, CSUB), dtype=jnp.float32)
    channels = jnp.sort(jax.random.randint(k2, (N, CSUB), 0, CFULL), axis=-1).astype(jnp.int64)
    weights = jax.random.uniform(k3, (N,), dtype=jnp.float32)
    noise_mean_full = jax.random.normal(k4, (RANK, CFULL), dtype=jnp.float32)
    return {"features": features, "channels": channels, "weights": weights, "noise_mean_full": noise_mean_full}


def reference(features, channels, weights, noise_mean_full):
    # Faithful port of to_full_probe(...) + GaussianUnit.fit_mean(...) with
    # mean_kind='full', prior_type='niw' (the fit path of SpikeMixtureModel's units).
    n, rank, csub = features.shape
    cfull = noise_mean_full.shape[1]
    # features_full.scatter_(2, channels[:, None].broadcast_to(features.shape), features)
    idx_n = jnp.broadcast_to(jnp.arange(n)[:, None, None], (n, rank, csub))
    idx_r = jnp.broadcast_to(jnp.arange(rank)[None, :, None], (n, rank, csub))
    idx_c = jnp.broadcast_to(channels[:, None, :], (n, rank, csub))
    features_full = jnp.zeros((n, rank, cfull), dtype=features.dtype).at[idx_n, idx_r, idx_c].set(features)
    # weights_full = features_full[:, 0, :].isfinite().to(dtype) * weights[:, None]
    weights_full = jnp.isfinite(features_full[:, 0, :]).astype(features_full.dtype)
    weights_full = weights_full * weights[:, None]
    features_full = jnp.nan_to_num(features_full)
    count_data = weights_full.sum(axis=0, keepdims=True)  # [1, CFULL]
    weights_normalized = weights_full / count_data  # [N, CFULL]
    # emp_mean = torch.vecdot(weights_normalized, features_full, dim=0) -> [rank, CFULL]
    emp_mean = jnp.sum(weights_normalized[:, None, :] * features_full, axis=0)
    # NIW prior blend
    count_full = PSEUDO + count_data
    w0 = PSEUDO / count_full
    w1 = count_data / count_full
    m = emp_mean * w1 + noise_mean_full * w0  # registered buffer 'mean'
    return m


if False:  # reference __main__ guard neutralized (emitter)
    out = reference(**setup_inputs())
    print(out.shape)

if __name__ == "__main__":
    import jax
    _d = setup_inputs()
    print(jax.jit(kernel)(*tuple(_d.values())))

</pallas_src>

<mosaic_0001>
#map = affine_map<(d0, d1) -> (0, 0)>
#map1 = affine_map<(d0, d1) -> (0)>
module attributes {stable_mosaic.version = 14 : i64} {
  func.func @_sc_partials(%arg0: i32, %arg1: i32, %arg2: memref<128x4096xf32, #tpu.memory_space<hbm>>, %arg3: memref<16x4096xi32, #tpu.memory_space<hbm>>, %arg4: memref<4096xf32, #tpu.memory_space<hbm>>, %arg5: memref<98304xf32, #tpu.memory_space<hbm>>, %arg6: memref<128x128xf32, #tpu.memory_space<vmem>>, %arg7: memref<16x128xi32, #tpu.memory_space<vmem>>, %arg8: memref<128xf32, #tpu.memory_space<vmem>>, %arg9: memref<3072xf32, #tpu.memory_space<vmem>>, %arg10: memref<!tpu.dma_semaphore, #tpu.memory_space<semaphore_mem>>) attributes {dimension_semantics = [#tpu.dimension_semantics<core_parallel>, #tpu.dimension_semantics<subcore_parallel>], iteration_bounds = array<i64: 2, 16>, scalar_prefetch = 0 : i64, scratch_operands = 5 : i64, tpu.core_type = #tpu.core_type<sc_vector_subcore>, window_params = [{transform_indices = #map}, {transform_indices = #map}, {transform_indices = #map1}, {transform_indices = #map1}]} {
    %mul3A = arith.constant 16 : i32
    %mul3A_0 = arith.muli %arg0, %mul3A : i32
    %add3A = arith.addi %mul3A_0, %arg1 : i32
    %mul3A_1 = arith.constant 128 : i32
    %mul3A_2 = arith.muli %add3A, %mul3A_1 : i32
    %dma_start3A = arith.constant 0 : i32
    %dma_start3A_3 = tpu.memref_slice %arg2[%dma_start3A, %mul3A_2] : memref<128x4096xf32, #tpu.memory_space<hbm>> -> memref<128x128xf32, #tpu.memory_space<hbm>>
    %dma_start3A_4 = arith.constant 0 : i32
    %dma_start3A_5 = tpu.memref_slice %arg2[%dma_start3A_4, %mul3A_2] : memref<128x4096xf32, #tpu.memory_space<hbm>> -> memref<128x128xf32, #tpu.memory_space<hbm>>
    tpu.enqueue_dma source(%dma_start3A_5 : memref<128x128xf32, #tpu.memory_space<hbm>>) target(%arg6 : memref<128x128xf32, #tpu.memory_space<vmem>>) target_semaphore(%arg10 : memref<!tpu.dma_semaphore, #tpu.memory_space<semaphore_mem>>)
    %dma_start3A_6 = arith.constant 0 : i32
    %dma_start3A_7 = tpu.memref_slice %arg3[%dma_start3A_6, %mul3A_2] : memref<16x4096xi32, #tpu.memory_space<hbm>> -> memref<16x128xi32, #tpu.memory_space<hbm>>
    %dma_start3A_8 = arith.constant 0 : i32
    %dma_start3A_9 = tpu.memref_slice %arg3[%dma_start3A_8, %mul3A_2] : memref<16x4096xi32, #tpu.memory_space<hbm>> -> memref<16x128xi32, #tpu.memory_space<hbm>>
    tpu.enqueue_dma source(%dma_start3A_9 : memref<16x128xi32, #tpu.memory_space<hbm>>) target(%arg7 : memref<16x128xi32, #tpu.memory_space<vmem>>) target_semaphore(%arg10 : memref<!tpu.dma_semaphore, #tpu.memory_space<semaphore_mem>>)
    %dma_start3A_10 = tpu.memref_slice %arg4[%mul3A_2] : memref<4096xf32, #tpu.memory_space<hbm>> -> memref<128xf32, #tpu.memory_space<hbm>>
    %dma_start3A_11 = tpu.memref_slice %arg4[%mul3A_2] : memref<4096xf32, #tpu.memory_space<hbm>> -> memref<128xf32, #tpu.memory_space<hbm>>
    tpu.enqueue_dma source(%dma_start3A_11 : memref<128xf32, #tpu.memory_space<hbm>>) target(%arg8 : memref<128xf32, #tpu.memory_space<vmem>>) target_semaphore(%arg10 : memref<!tpu.dma_semaphore, #tpu.memory_space<semaphore_mem>>)
    %scan3A = arith.constant 0 : i32
    %scan3A_12 = arith.constant 0 : i32
    %scan3A_13 = arith.constant 192 : i32
    %scan3A_14 = arith.addi %scan3A_12, %scan3A_13 : i32
    %scan3A_15 = arith.constant 1 : i32
    %scan3A_16 = scf.for %scan3A_31 = %scan3A_12 to %scan3A_14 step %scan3A_15 iter_args(%scan3A_32 = %scan3A) -> (i32)  : i32 {
      %broadcast_in_dim3A = arith.constant 0.000000e+00 : f32
      %broadcast_in_dim3A_33 = vector.broadcast %broadcast_in_dim3A : f32 to vector<16xf32>
      %mul3A_34 = arith.constant 16 : i32
      %mul3A_35 = arith.muli %scan3A_31, %mul3A_34 : i32
      %multiple_of3A = tpu.assume_multiple %mul3A_35, 16 : i32
      %swap3A = arith.index_cast %multiple_of3A : i32 to index
      %swap3A_36 = tpu.vector_load %arg9[%swap3A] {strides = array<i32>} : memref<3072xf32, #tpu.memory_space<vmem>>, vector<16xf32>,
      tpu.vector_store %arg9[%swap3A], %broadcast_in_dim3A_33 {strides = array<i32>} : memref<3072xf32, #tpu.memory_space<vmem>>, vector<16xf32>,
      %scan3A_37 = arith.constant 0 : i32
      scf.yield %scan3A_37 : i32
    }
    %scan3A_17 = arith.constant 192 : i32
    %dma_wait3A = arith.constant 0 : i32
    %dma_wait3A_18 = tpu.memref_slice %arg2[%dma_wait3A, %mul3A_2] : memref<128x4096xf32, #tpu.memory_space<hbm>> -> memref<128x128xf32, #tpu.memory_space<hbm>>
    %dma_wait3A_19 = arith.constant 0 : i32
    %dma_wait3A_20 = tpu.memref_slice %arg2[%dma_wait3A_19, %mul3A_2] : memref<128x4096xf32, #tpu.memory_space<hbm>> -> memref<128x128xf32, #tpu.memory_space<hbm>>
    tpu.wait_dma2 semaphore(%arg10 : memref<!tpu.dma_semaphore, #tpu.memory_space<semaphore_mem>>) src(%dma_wait3A_20 : memref<128x128xf32, #tpu.memory_space<hbm>>) dst(%arg6 : memref<128x128xf32, #tpu.memory_space<vmem>>)
    %dma_wait3A_21 = arith.constant 0 : i32
    %dma_wait3A_22 = tpu.memref_slice %arg3[%dma_wait3A_21, %mul3A_2] : memref<16x4096xi32, #tpu.memory_space<hbm>> -> memref<16x128xi32, #tpu.memory_space<hbm>>
    %dma_wait3A_23 = arith.constant 0 : i32
    %dma_wait3A_24 = tpu.memref_slice %arg3[%dma_wait3A_23, %mul3A_2] : memref<16x4096xi32, #tpu.memory_space<hbm>> -> memref<16x128xi32, #tpu.memory_space<hbm>>
    tpu.wait_dma2 semaphore(%arg10 : memref<!tpu.dma_semaphore, #tpu.memory_space<semaphore_mem>>) src(%dma_wait3A_24 : memref<16x128xi32, #tpu.memory_space<hbm>>) dst(%arg7 : memref<16x128xi32, #tpu.memory_space<vmem>>)
    %dma_wait3A_25 = tpu.memref_slice %arg4[%mul3A_2] : memref<4096xf32, #tpu.memory_space<hbm>> -> memref<128xf32, #tpu.memory_space<hbm>>
    %dma_wait3A_26 = tpu.memref_slice %arg4[%mul3A_2] : memref<4096xf32, #tpu.memory_space<hbm>> -> memref<128xf32, #tpu.memory_space<hbm>>
    tpu.wait_dma2 semaphore(%arg10 : memref<!tpu.dma_semaphore, #tpu.memory_space<semaphore_mem>>) src(%dma_wait3A_26 : memref<128xf32, #tpu.memory_space<hbm>>) dst(%arg8 : memref<128xf32, #tpu.memory_space<vmem>>)
    %parallel_loop3A = arith.constant 0 : i32
    %parallel_loop3A_27 = arith.constant 8 : i32
    %parallel_loop3A_28 = arith.constant 1 : i32
    scf.for %parallel_loop3A_31 = %parallel_loop3A to %parallel_loop3A_27 step %parallel_loop3A_28  : i32 {
      %parallel_loop3A_32 = arith.constant 16 : i32
      %parallel_loop3A_33 = arith.muli %parallel_loop3A_31, %parallel_loop3A_32 : i32
      %parallel_loop3A_34 = tpu.assume_multiple %parallel_loop3A_33, 16 : i32
      %parallel_loop3A_35 = arith.index_cast %parallel_loop3A_34 : i32 to index
      %parallel_loop3A_36 = tpu.vector_load %arg8[%parallel_loop3A_35] {strides = array<i32>} : memref<128xf32, #tpu.memory_space<vmem>>, vector<16xf32>,
      %parallel_loop3A_37 = arith.constant 0 : i32
      %parallel_loop3A_38 = arith.index_cast %parallel_loop3A_37 : i32 to index
      %parallel_loop3A_39 = arith.index_cast %parallel_loop3A_34 : i32 to index
      %parallel_loop3A_40 = tpu.vector_load %arg7[%parallel_loop3A_38, %parallel_loop3A_39] {strides = array<i32>} : memref<16x128xi32, #tpu.memory_space<vmem>>, vector<16xi32>,
      %parallel_loop3A_41 = arith.constant 1 : i32
      %parallel_loop3A_42 = arith.index_cast %parallel_loop3A_41 : i32 to index
      %parallel_loop3A_43 = arith.index_cast %parallel_loop3A_34 : i32 to index
      %parallel_loop3A_44 = tpu.vector_load %arg7[%parallel_loop3A_42, %parallel_loop3A_43] {strides = array<i32>} : memref<16x128xi32, #tpu.memory_space<vmem>>, vector<16xi32>,
      %parallel_loop3A_45 = arith.cmpi ne, %parallel_loop3A_40, %parallel_loop3A_44 : vector<16xi32>
      %parallel_loop3A_46 = arith.constant 0 : i32
      %parallel_loop3A_47 = arith.index_cast %parallel_loop3A_46 : i32 to index
      %parallel_loop3A_48 = arith.index_cast %parallel_loop3A_34 : i32 to index
      %parallel_loop3A_49 = tpu.vector_load %arg6[%parallel_loop3A_47, %parallel_loop3A_48] {strides = array<i32>} : memref<128x128xf32, #tpu.memory_space<vmem>>, vector<16xf32>,
      %parallel_loop3A_50 = arith.constant 16 : i32
      %parallel_loop3A_51 = arith.index_cast %parallel_loop3A_50 : i32 to index
      %parallel_loop3A_52 = arith.index_cast %parallel_loop3A_34 : i32 to index
      %parallel_loop3A_53 = tpu.vector_load %arg6[%parallel_loop3A_51, %parallel_loop3A_52] {strides = array<i32>} : memref<128x128xf32, #tpu.memory_space<vmem>>, vector<16xf32>,
      %parallel_loop3A_54 = arith.constant 32 : i32
      %parallel_loop3A_55 = arith.index_cast %parallel_loop3A_54 : i32 to index
      %parallel_loop3A_56 = arith.index_cast %parallel_loop3A_34 : i32 to index
      %parallel_loop3A_57 = tpu.vector_load %arg6[%parallel_loop3A_55, %parallel_loop3A_56] {strides = array<i32>} : memref<128x128xf32, #tpu.memory_space<vmem>>, vector<16xf32>,
      %parallel_loop3A_58 = arith.constant 48 : i32
      %parallel_loop3A_59 = arith.index_cast %parallel_loop3A_58 : i32 to index
      %parallel_loop3A_60 = arith.index_cast %parallel_loop3A_34 : i32 to index
      %parallel_loop3A_61 = tpu.vector_load %arg6[%parallel_loop3A_59, %parallel_loop3A_60] {strides = array<i32>} : memref<128x128xf32, #tpu.memory_space<vmem>>, vector<16xf32>,
      %parallel_loop3A_62 = arith.constant 64 : i32
      %parallel_loop3A_63 = arith.index_cast %parallel_loop3A_62 : i32 to index
      %parallel_loop3A_64 = arith.index_cast %parallel_loop3A_34 : i32 to index
      %parallel_loop3A_65 = tpu.vector_load %arg6[%parallel_loop3A_63, %parallel_loop3A_64] {strides = array<i32>} : memref<128x128xf32, #tpu.memory_space<vmem>>, vector<16xf32>,
      %parallel_loop3A_66 = arith.constant 80 : i32
      %parallel_loop3A_67 = arith.index_cast %parallel_loop3A_66 : i32 to index
      %parallel_loop3A_68 = arith.index_cast %parallel_loop3A_34 : i32 to index
      %parallel_loop3A_69 = tpu.vector_load %arg6[%parallel_loop3A_67, %parallel_loop3A_68] {strides = array<i32>} : memref<128x128xf32, #tpu.memory_space<vmem>>, vector<16xf32>,
      %parallel_loop3A_70 = arith.constant 96 : i32
      %parallel_loop3A_71 = arith.index_cast %parallel_loop3A_70 : i32 to index
      %parallel_loop3A_72 = arith.index_cast %parallel_loop3A_34 : i32 to index
      %parallel_loop3A_73 = tpu.vector_load %arg6[%parallel_loop3A_71, %parallel_loop3A_72] {strides = array<i32>} : memref<128x128xf32, #tpu.memory_space<vmem>>, vector<16xf32>,
      %parallel_loop3A_74 = arith.constant 112 : i32
      %parallel_loop3A_75 = arith.index_cast %parallel_loop3A_74 : i32 to index
      %parallel_loop3A_76 = arith.index_cast %parallel_loop3A_34 : i32 to index
      %parallel_loop3A_77 = tpu.vector_load %arg6[%parallel_loop3A_75, %parallel_loop3A_76] {strides = array<i32>} : memref<128x128xf32, #tpu.memory_space<vmem>>, vector<16xf32>,
      %parallel_loop3A_78 = arith.constant 0 : i32
      %parallel_loop3A_79 = vector.broadcast %parallel_loop3A_78 : i32 to vector<16xi32>
      %parallel_loop3A_80 = arith.addi %parallel_loop3A_40, %parallel_loop3A_79 : vector<16xi32>
      %parallel_loop3A_81 = arith.constant 384 : i32
      %parallel_loop3A_82 = vector.broadcast %parallel_loop3A_81 : i32 to vector<16xi32>
      %parallel_loop3A_83 = arith.addi %parallel_loop3A_40, %parallel_loop3A_82 : vector<16xi32>
      %parallel_loop3A_84 = arith.constant 768 : i32
      %parallel_loop3A_85 = vector.broadcast %parallel_loop3A_84 : i32 to vector<16xi32>
      %parallel_loop3A_86 = arith.addi %parallel_loop3A_40, %parallel_loop3A_85 : vector<16xi32>
      %parallel_loop3A_87 = arith.constant 1152 : i32
      %parallel_loop3A_88 = vector.broadcast %parallel_loop3A_87 : i32 to vector<16xi32>
      %parallel_loop3A_89 = arith.addi %parallel_loop3A_40, %parallel_loop3A_88 : vector<16xi32>
      %parallel_loop3A_90 = arith.constant 1536 : i32
      %parallel_loop3A_91 = vector.broadcast %parallel_loop3A_90 : i32 to vector<16xi32>
      %parallel_loop3A_92 = arith.addi %parallel_loop3A_40, %parallel_loop3A_91 : vector<16xi32>
      %parallel_loop3A_93 = arith.constant 1920 : i32
      %parallel_loop3A_94 = vector.broadcast %parallel_loop3A_93 : i32 to vector<16xi32>
      %parallel_loop3A_95 = arith.addi %parallel_loop3A_40, %parallel_loop3A_94 : vector<16xi32>
      %parallel_loop3A_96 = arith.constant 2304 : i32
      %parallel_loop3A_97 = vector.broadcast %parallel_loop3A_96 : i32 to vector<16xi32>
      %parallel_loop3A_98 = arith.addi %parallel_loop3A_40, %parallel_loop3A_97 : vector<16xi32>
      %parallel_loop3A_99 = arith.constant 2688 : i32
      %parallel_loop3A_100 = vector.broadcast %parallel_loop3A_99 : i32 to vector<16xi32>
      %parallel_loop3A_101 = arith.addi %parallel_loop3A_40, %parallel_loop3A_100 : vector<16xi32>
      %parallel_loop3A_102 = arith.mulf %parallel_loop3A_49, %parallel_loop3A_36 : vector<16xf32>
      %parallel_loop3A_103 = arith.mulf %parallel_loop3A_53, %parallel_loop3A_36 : vector<16xf32>
      %parallel_loop3A_104 = arith.mulf %parallel_loop3A_57, %parallel_loop3A_36 : vector<16xf32>
      %parallel_loop3A_105 = arith.mulf %parallel_loop3A_61, %parallel_loop3A_36 : vector<16xf32>
      %parallel_loop3A_106 = arith.mulf %parallel_loop3A_65, %parallel_loop3A_36 : vector<16xf32>
      %parallel_loop3A_107 = arith.mulf %parallel_loop3A_69, %parallel_loop3A_36 : vector<16xf32>
      %parallel_loop3A_108 = arith.mulf %parallel_loop3A_73, %parallel_loop3A_36 : vector<16xf32>
      %parallel_loop3A_109 = arith.mulf %parallel_loop3A_77, %parallel_loop3A_36 : vector<16xf32>
      tpu.vector_store_idx %arg9[%parallel_loop3A_80], %parallel_loop3A_102 masked %parallel_loop3A_45 {add = true} : memref<3072xf32, #tpu.memory_space<vmem>>[vector<16xi32>], vector<16xf32>, vector<16xi1>
      tpu.vector_store_idx %arg9[%parallel_loop3A_83], %parallel_loop3A_103 masked %parallel_loop3A_45 {add = true} : memref<3072xf32, #tpu.memory_space<vmem>>[vector<16xi32>], vector<16xf32>, vector<16xi1>
      tpu.vector_store_idx %arg9[%parallel_loop3A_86], %parallel_loop3A_104 masked %parallel_loop3A_45 {add = true} : memref<3072xf32, #tpu.memory_space<vmem>>[vector<16xi32>], vector<16xf32>, vector<16xi1>
      tpu.vector_store_idx %arg9[%parallel_loop3A_89], %parallel_loop3A_105 masked %parallel_loop3A_45 {add = true} : memref<3072xf32, #tpu.memory_space<vmem>>[vector<16xi32>], vector<16xf32>, vector<16xi1>
      tpu.vector_store_idx %arg9[%parallel_loop3A_92], %parallel_loop3A_106 masked %parallel_loop3A_45 {add = true} : memref<3072xf32, #tpu.memory_space<vmem>>[vector<16xi32>], vector<16xf32>, vector<16xi1>
      tpu.vector_store_idx %arg9[%parallel_loop3A_95], %parallel_loop3A_107 masked %parallel_loop3A_45 {add = true} : memref<3072xf32, #tpu.memory_space<vmem>>[vector<16xi32>], vector<16xf32>, vector<16xi1>
      tpu.vector_store_idx %arg9[%parallel_loop3A_98], %parallel_loop3A_108 masked %parallel_loop3A_45 {add = true} : memref<3072xf32, #tpu.memory_space<vmem>>[vector<16xi32>], vector<16xf32>, vector<16xi1>
      tpu.vector_store_idx %arg9[%parallel_loop3A_101], %parallel_loop3A_109 masked %parallel_loop3A_45 {add = true} : memref<3072xf32, #tpu.memory_space<vmem>>[vector<16xi32>], vector<16xf32>, vector<16xi1>
      %parallel_loop3A_110 = arith.constant 2 : i32
      %parallel_loop3A_111 = arith.index_cast %parallel_loop3A_110 : i32 to index
      %parallel_loop3A_112 = arith.index_cast %parallel_loop3A_34 : i32 to index
      %parallel_loop3A_113 = tpu.vector_load %arg7[%parallel_loop3A_111, %parallel_loop3A_112] {strides = array<i32>} : memref<16x128xi32, #tpu.memory_space<vmem>>, vector<16xi32>,
      %parallel_loop3A_114 = arith.cmpi ne, %parallel_loop3A_44, %parallel_loop3A_113 : vector<16xi32>
      %parallel_loop3A_115 = arith.constant 1 : i32
      %parallel_loop3A_116 = arith.index_cast %parallel_loop3A_115 : i32 to index
      %parallel_loop3A_117 = arith.index_cast %parallel_loop3A_34 : i32 to index
      %parallel_loop3A_118 = tpu.vector_load %arg6[%parallel_loop3A_116, %parallel_loop3A_117] {strides = array<i32>} : memref<128x128xf32, #tpu.memory_space<vmem>>, vector<16xf32>,
      %parallel_loop3A_119 = arith.constant 17 : i32
      %parallel_loop3A_120 = arith.index_cast %parallel_loop3A_119 : i32 to index
      %parallel_loop3A_121 = arith.index_cast %parallel_loop3A_34 : i32 to index
      %parallel_loop3A_122 = tpu.vector_load %arg6[%parallel_loop3A_120, %parallel_loop3A_121] {strides = array<i32>} : memref<128x128xf32, #tpu.memory_space<vmem>>, vector<16xf32>,
      %parallel_loop3A_123 = arith.constant 33 : i32
      %parallel_loop3A_124 = arith.index_cast %parallel_loop3A_123 : i32 to index
      %parallel_loop3A_125 = arith.index_cast %parallel_loop3A_34 : i32 to index
      %parallel_loop3A_126 = tpu.vector_load %arg6[%parallel_loop3A_124, %parallel_loop3A_125] {strides = array<i32>} : memref<128x128xf32, #tpu.memory_space<vmem>>, vector<16xf32>,
      %parallel_loop3A_127 = arith.constant 49 : i32
      %parallel_loop3A_128 = arith.index_cast %parallel_loop3A_127 : i32 to index
      %parallel_loop3A_129 = arith.index_cast %parallel_loop3A_34 : i32 to index
      %parallel_loop3A_130 = tpu.vector_load %arg6[%parallel_loop3A_128, %parallel_loop3A_129] {strides = array<i32>} : memref<128x128xf32, #tpu.memory_space<vmem>>, vector<16xf32>,
      %parallel_loop3A_131 = arith.constant 65 : i32
      %parallel_loop3A_132 = arith.index_cast %parallel_loop3A_131 : i32 to index
      %parallel_loop3A_133 = arith.index_cast %parallel_loop3A_34 : i32 to index
      %parallel_loop3A_134 = tpu.vector_load %arg6[%parallel_loop3A_132, %parallel_loop3A_133] {strides = array<i32>} : memref<128x128xf32, #tpu.memory_space<vmem>>, vector<16xf32>,
      %parallel_loop3A_135 = arith.constant 81 : i32
      %parallel_loop3A_136 = arith.index_cast %parallel_loop3A_135 : i32 to index
      %parallel_loop3A_137 = arith.index_cast %parallel_loop3A_34 : i32 to index
      %parallel_loop3A_138 = tpu.vector_load %arg6[%parallel_loop3A_136, %parallel_loop3A_137] {strides = array<i32>} : memref<128x128xf32, #tpu.memory_space<vmem>>, vector<16xf32>,
      %parallel_loop3A_139 = arith.constant 97 : i32
      %parallel_loop3A_140 = arith.index_cast %parallel_loop3A_139 : i32 to index
      %parallel_loop3A_141 = arith.index_cast %parallel_loop3A_34 : i32 to index
      %parallel_loop3A_142 = tpu.vector_load %arg6[%parallel_loop3A_140, %parallel_loop3A_141] {strides = array<i32>} : memref<128x128xf32, #tpu.memory_space<vmem>>, vector<16xf32>,
      %parallel_loop3A_143 = arith.constant 113 : i32
      %parallel_loop3A_144 = arith.index_cast %parallel_loop3A_143 : i32 to index
      %parallel_loop3A_145 = arith.index_cast %parallel_loop3A_34 : i32 to index
      %parallel_loop3A_146 = tpu.vector_load %arg6[%parallel_loop3A_144, %parallel_loop3A_145] {strides = array<i32>} : memref<128x128xf32, #tpu.memory_space<vmem>>, vector<16xf32>,
      %parallel_loop3A_147 = arith.constant 0 : i32
      %parallel_loop3A_148 = vector.broadcast %parallel_loop3A_147 : i32 to vector<16xi32>
      %parallel_loop3A_149 = arith.addi %parallel_loop3A_44, %parallel_loop3A_148 : vector<16xi32>
      %parallel_loop3A_150 = arith.constant 384 : i32
      %parallel_loop3A_151 = vector.broadcast %parallel_loop3A_150 : i32 to vector<16xi32>
      %parallel_loop3A_152 = arith.addi %parallel_loop3A_44, %parallel_loop3A_151 : vector<16xi32>
      %parallel_loop3A_153 = arith.constant 768 : i32
      %parallel_loop3A_154 = vector.broadcast %parallel_loop3A_153 : i32 to vector<16xi32>
      %parallel_loop3A_155 = arith.addi %parallel_loop3A_44, %parallel_loop3A_154 : vector<16xi32>
      %parallel_loop3A_156 = arith.constant 1152 : i32
      %parallel_loop3A_157 = vector.broadcast %parallel_loop3A_156 : i32 to vector<16xi32>
      %parallel_loop3A_158 = arith.addi %parallel_loop3A_44, %parallel_loop3A_157 : vector<16xi32>
      %parallel_loop3A_159 = arith.constant 1536 : i32
      %parallel_loop3A_160 = vector.broadcast %parallel_loop3A_159 : i32 to vector<16xi32>
      %parallel_loop3A_161 = arith.addi %parallel_loop3A_44, %parallel_loop3A_160 : vector<16xi32>
      %parallel_loop3A_162 = arith.constant 1920 : i32
      %parallel_loop3A_163 = vector.broadcast %parallel_loop3A_162 : i32 to vector<16xi32>
      %parallel_loop3A_164 = arith.addi %parallel_loop3A_44, %parallel_loop3A_163 : vector<16xi32>
      %parallel_loop3A_165 = arith.constant 2304 : i32
      %parallel_loop3A_166 = vector.broadcast %parallel_loop3A_165 : i32 to vector<16xi32>
      %parallel_loop3A_167 = arith.addi %parallel_loop3A_44, %parallel_loop3A_166 : vector<16xi32>
      %parallel_loop3A_168 = arith.constant 2688 : i32
      %parallel_loop3A_169 = vector.broadcast %parallel_loop3A_168 : i32 to vector<16xi32>
      %parallel_loop3A_170 = arith.addi %parallel_loop3A_44, %parallel_loop3A_169 : vector<16xi32>
      %parallel_loop3A_171 = arith.mulf %parallel_loop3A_118, %parallel_loop3A_36 : vector<16xf32>
      %parallel_loop3A_172 = arith.mulf %parallel_loop3A_122, %parallel_loop3A_36 : vector<16xf32>
      %parallel_loop3A_173 = arith.mulf %parallel_loop3A_126, %parallel_loop3A_36 : vector<16xf32>
      %parallel_loop3A_174 = arith.mulf %parallel_loop3A_130, %parallel_loop3A_36 : vector<16xf32>
      %parallel_loop3A_175 = arith.mulf %parallel_loop3A_134, %parallel_loop3A_36 : vector<16xf32>
      %parallel_loop3A_176 = arith.mulf %parallel_loop3A_138, %parallel_loop3A_36 : vector<16xf32>
      %parallel_loop3A_177 = arith.mulf %parallel_loop3A_142, %parallel_loop3A_36 : vector<16xf32>
      %parallel_loop3A_178 = arith.mulf %parallel_loop3A_146, %parallel_loop3A_36 : vector<16xf32>
      tpu.vector_store_idx %arg9[%parallel_loop3A_149], %parallel_loop3A_171 masked %parallel_loop3A_114 {add = true} : memref<3072xf32, #tpu.memory_space<vmem>>[vector<16xi32>], vector<16xf32>, vector<16xi1>
      tpu.vector_store_idx %arg9[%parallel_loop3A_152], %parallel_loop3A_172 masked %parallel_loop3A_114 {add = true} : memref<3072xf32, #tpu.memory_space<vmem>>[vector<16xi32>], vector<16xf32>, vector<16xi1>
      tpu.vector_store_idx %arg9[%parallel_loop3A_155], %parallel_loop3A_173 masked %parallel_loop3A_114 {add = true} : memref<3072xf32, #tpu.memory_space<vmem>>[vector<16xi32>], vector<16xf32>, vector<16xi1>
      tpu.vector_store_idx %arg9[%parallel_loop3A_158], %parallel_loop3A_174 masked %parallel_loop3A_114 {add = true} : memref<3072xf32, #tpu.memory_space<vmem>>[vector<16xi32>], vector<16xf32>, vector<16xi1>
      tpu.vector_store_idx %arg9[%parallel_loop3A_161], %parallel_loop3A_175 masked %parallel_loop3A_114 {add = true} : memref<3072xf32, #tpu.memory_space<vmem>>[vector<16xi32>], vector<16xf32>, vector<16xi1>
      tpu.vector_store_idx %arg9[%parallel_loop3A_164], %parallel_loop3A_176 masked %parallel_loop3A_114 {add = true} : memref<3072xf32, #tpu.memory_space<vmem>>[vector<16xi32>], vector<16xf32>, vector<16xi1>
      tpu.vector_store_idx %arg9[%parallel_loop3A_167], %parallel_loop3A_177 masked %parallel_loop3A_114 {add = true} : memref<3072xf32, #tpu.memory_space<vmem>>[vector<16xi32>], vector<16xf32>, vector<16xi1>
      tpu.vector_store_idx %arg9[%parallel_loop3A_170], %parallel_loop3A_178 masked %parallel_loop3A_114 {add = true} : memref<3072xf32, #tpu.memory_space<vmem>>[vector<16xi32>], vector<16xf32>, vector<16xi1>
      %parallel_loop3A_179 = arith.constant 3 : i32
      %parallel_loop3A_180 = arith.index_cast %parallel_loop3A_179 : i32 to index
      %parallel_loop3A_181 = arith.index_cast %parallel_loop3A_34 : i32 to index
      %parallel_loop3A_182 = tpu.vector_load %arg7[%parallel_loop3A_180, %parallel_loop3A_181] {strides = array<i32>} : memref<16x128xi32, #tpu.memory_space<vmem>>, vector<16xi32>,
      %parallel_loop3A_183 = arith.cmpi ne, %parallel_loop3A_113, %parallel_loop3A_182 : vector<16xi32>
      %parallel_loop3A_184 = arith.constant 2 : i32
      %parallel_loop3A_185 = arith.index_cast %parallel_loop3A_184 : i32 to index
      %parallel_loop3A_186 = arith.index_cast %parallel_loop3A_34 : i32 to index
      %parallel_loop3A_187 = tpu.vector_load %arg6[%parallel_loop3A_185, %parallel_loop3A_186] {strides = array<i32>} : memref<128x128xf32, #tpu.memory_space<vmem>>, vector<16xf32>,
      %parallel_loop3A_188 = arith.constant 18 : i32
      %parallel_loop3A_189 = arith.index_cast %parallel_loop3A_188 : i32 to index
      %parallel_loop3A_190 = arith.index_cast %parallel_loop3A_34 : i32 to index
      %parallel_loop3A_191 = tpu.vector_load %arg6[%parallel_loop3A_189, %parallel_loop3A_190] {strides = array<i32>} : memref<128x128xf32, #tpu.memory_space<vmem>>, vector<16xf32>,
      %parallel_loop3A_192 = arith.constant 34 : i32
      %parallel_loop3A_193 = arith.index_cast %parallel_loop3A_192 : i32 to index
      %parallel_loop3A_194 = arith.index_cast %parallel_loop3A_34 : i32 to index
      %parallel_loop3A_195 = tpu.vector_load %arg6[%parallel_loop3A_193, %parallel_loop3A_194] {strides = array<i32>} : memref<128x128xf32, #tpu.memory_space<vmem>>, vector<16xf32>,
      %parallel_loop3A_196 = arith.constant 50 : i32
      %parallel_loop3A_197 = arith.index_cast %parallel_loop3A_196 : i32 to index
      %parallel_loop3A_198 = arith.index_cast %parallel_loop3A_34 : i32 to index
      %parallel_loop3A_199 = tpu.vector_load %arg6[%parallel_loop3A_197, %parallel_loop3A_198] {strides = array<i32>} : memref<128x128xf32, #tpu.memory_space<vmem>>, vector<16xf32>,
      %parallel_loop3A_200 = arith.constant 66 : i32
      %parallel_loop3A_201 = arith.index_cast %parallel_loop3A_200 : i32 to index
      %parallel_loop3A_202 = arith.index_cast %parallel_loop3A_34 : i32 to index
      %parallel_loop3A_203 = tpu.vector_load %arg6[%parallel_loop3A_201, %parallel_loop3A_202] {strides = array<i32>} : memref<128x128xf32, #tpu.memory_space<vmem>>, vector<16xf32>,
      %parallel_loop3A_204 = arith.constant 82 : i32
      %parallel_loop3A_205 = arith.index_cast %parallel_loop3A_204 : i32 to index
      %parallel_loop3A_206 = arith.index_cast %parallel_loop3A_34 : i32 to index
      %parallel_loop3A_207 = tpu.vector_load %arg6[%parallel_loop3A_205, %parallel_loop3A_206] {strides = array<i32>} : memref<128x128xf32, #tpu.memory_space<vmem>>, vector<16xf32>,
      %parallel_loop3A_208 = arith.constant 98 : i32
      %parallel_loop3A_209 = arith.index_cast %parallel_loop3A_208 : i32 to index
      %parallel_loop3A_210 = arith.index_cast %parallel_loop3A_34 : i32 to index
      %parallel_loop3A_211 = tpu.vector_load %arg6[%parallel_loop3A_209, %parallel_loop3A_210] {strides = array<i32>} : memref<128x128xf32, #tpu.memory_space<vmem>>, vector<16xf32>,
      %parallel_loop3A_212 = arith.constant 114 : i32
      %parallel_loop3A_213 = arith.index_cast %parallel_loop3A_212 : i32 to index
      %parallel_loop3A_214 = arith.index_cast %parallel_loop3A_34 : i32 to index
      %parallel_loop3A_215 = tpu.vector_load %arg6[%parallel_loop3A_213, %parallel_loop3A_214] {strides = array<i32>} : memref<128x128xf32, #tpu.memory_space<vmem>>, vector<16xf32>,
      %parallel_loop3A_216 = arith.constant 0 : i32
      %parallel_loop3A_217 = vector.broadcast %parallel_loop3A_216 : i32 to vector<16xi32>
      %parallel_loop3A_218 = arith.addi %parallel_loop3A_113, %parallel_loop3A_217 : vector<16xi32>
      %parallel_loop3A_219 = arith.constant 384 : i32
      %parallel_loop3A_220 = vector.broadcast %parallel_loop3A_219 : i32 to vector<16xi32>
      %parallel_loop3A_221 = arith.addi %parallel_loop3A_113, %parallel_loop3A_220 : vector<16xi32>
      %parallel_loop3A_222 = arith.constant 768 : i32
      %parallel_loop3A_223 = vector.broadcast %parallel_loop3A_222 : i32 to vector<16xi32>
      %parallel_loop3A_224 = arith.addi %parallel_loop3A_113, %parallel_loop3A_223 : vector<16xi32>
      %parallel_loop3A_225 = arith.constant 1152 : i32
      %parallel_loop3A_226 = vector.broadcast %parallel_loop3A_225 : i32 to vector<16xi32>
      %parallel_loop3A_227 = arith.addi %parallel_loop3A_113, %parallel_loop3A_226 : vector<16xi32>
      %parallel_loop3A_228 = arith.constant 1536 : i32
      %parallel_loop3A_229 = vector.broadcast %parallel_loop3A_228 : i32 to vector<16xi32>
      %parallel_loop3A_230 = arith.addi %parallel_loop3A_113, %parallel_loop3A_229 : vector<16xi32>
      %parallel_loop3A_231 = arith.constant 1920 : i32
      %parallel_loop3A_232 = vector.broadcast %parallel_loop3A_231 : i32 to vector<16xi32>
      %parallel_loop3A_233 = arith.addi %parallel_loop3A_113, %parallel_loop3A_232 : vector<16xi32>
      %parallel_loop3A_234 = arith.constant 2304 : i32
      %parallel_loop3A_235 = vector.broadcast %parallel_loop3A_234 : i32 to vector<16xi32>
      %parallel_loop3A_236 = arith.addi %parallel_loop3A_113, %parallel_loop3A_235 : vector<16xi32>
      %parallel_loop3A_237 = arith.constant 2688 : i32
      %parallel_loop3A_238 = vector.broadcast %parallel_loop3A_237 : i32 to vector<16xi32>
      %parallel_loop3A_239 = arith.addi %parallel_loop3A_113, %parallel_loop3A_238 : vector<16xi32>
      %parallel_loop3A_240 = arith.mulf %parallel_loop3A_187, %parallel_loop3A_36 : vector<16xf32>
      %parallel_loop3A_241 = arith.mulf %parallel_loop3A_191, %parallel_loop3A_36 : vector<16xf32>
      %parallel_loop3A_242 = arith.mulf %parallel_loop3A_195, %parallel_loop3A_36 : vector<16xf32>
      %parallel_loop3A_243 = arith.mulf %parallel_loop3A_199, %parallel_loop3A_36 : vector<16xf32>
      %parallel_loop3A_244 = arith.mulf %parallel_loop3A_203, %parallel_loop3A_36 : vector<16xf32>
      %parallel_loop3A_245 = arith.mulf %parallel_loop3A_207, %parallel_loop3A_36 : vector<16xf32>
      %parallel_loop3A_246 = arith.mulf %parallel_loop3A_211, %parallel_loop3A_36 : vector<16xf32>
      %parallel_loop3A_247 = arith.mulf %parallel_loop3A_215, %parallel_loop3A_36 : vector<16xf32>
      tpu.vector_store_idx %arg9[%parallel_loop3A_218], %parallel_loop3A_240 masked %parallel_loop3A_183 {add = true} : memref<3072xf32, #tpu.memory_space<vmem>>[vector<16xi32>], vector<16xf32>, vector<16xi1>
      tpu.vector_store_idx %arg9[%parallel_loop3A_221], %parallel_loop3A_241 masked %parallel_loop3A_183 {add = true} : memref<3072xf32, #tpu.memory_space<vmem>>[vector<16xi32>], vector<16xf32>, vector<16xi1>
      tpu.vector_store_idx %arg9[%parallel_loop3A_224], %parallel_loop3A_242 masked %parallel_loop3A_183 {add = true} : memref<3072xf32, #tpu.memory_space<vmem>>[vector<16xi32>], vector<16xf32>, vector<16xi1>
      tpu.vector_store_idx %arg9[%parallel_loop3A_227], %parallel_loop3A_243 masked %parallel_loop3A_183 {add = true} : memref<3072xf32, #tpu.memory_space<vmem>>[vector<16xi32>], vector<16xf32>, vector<16xi1>
      tpu.vector_store_idx %arg9[%parallel_loop3A_230], %parallel_loop3A_244 masked %parallel_loop3A_183 {add = true} : memref<3072xf32, #tpu.memory_space<vmem>>[vector<16xi32>], vector<16xf32>, vector<16xi1>
      tpu.vector_store_idx %arg9[%parallel_loop3A_233], %parallel_loop3A_245 masked %parallel_loop3A_183 {add = true} : memref<3072xf32, #tpu.memory_space<vmem>>[vector<16xi32>], vector<16xf32>, vector<16xi1>
      tpu.vector_store_idx %arg9[%parallel_loop3A_236], %parallel_loop3A_246 masked %parallel_loop3A_183 {add = true} : memref<3072xf32, #tpu.memory_space<vmem>>[vector<16xi32>], vector<16xf32>, vector<16xi1>
      tpu.vector_store_idx %arg9[%parallel_loop3A_239], %parallel_loop3A_247 masked %parallel_loop3A_183 {add = true} : memref<3072xf32, #tpu.memory_space<vmem>>[vector<16xi32>], vector<16xf32>, vector<16xi1>
      %parallel_loop3A_248 = arith.constant 4 : i32
      %parallel_loop3A_249 = arith.index_cast %parallel_loop3A_248 : i32 to index
      %parallel_loop3A_250 = arith.index_cast %parallel_loop3A_34 : i32 to index
      %parallel_loop3A_251 = tpu.vector_load %arg7[%parallel_loop3A_249, %parallel_loop3A_250] {strides = array<i32>} : memref<16x128xi32, #tpu.memory_space<vmem>>, vector<16xi32>,
      %parallel_loop3A_252 = arith.cmpi ne, %parallel_loop3A_182, %parallel_loop3A_251 : vector<16xi32>
      %parallel_loop3A_253 = arith.constant 3 : i32
      %parallel_loop3A_254 = arith.index_cast %parallel_loop3A_253 : i32 to index
      %parallel_loop3A_255 = arith.index_cast %parallel_loop3A_34 : i32 to index
      %parallel_loop3A_256 = tpu.vector_load %arg6[%parallel_loop3A_254, %parallel_loop3A_255] {strides = array<i32>} : memref<128x128xf32, #tpu.memory_space<vmem>>, vector<16xf32>,
      %parallel_loop3A_257 = arith.constant 19 : i32
      %parallel_loop3A_258 = arith.index_cast %parallel_loop3A_257 : i32 to index
      %parallel_loop3A_259 = arith.index_cast %parallel_loop3A_34 : i32 to index
      %parallel_loop3A_260 = tpu.vector_load %arg6[%parallel_loop3A_258, %parallel_loop3A_259] {strides = array<i32>} : memref<128x128xf32, #tpu.memory_space<vmem>>, vector<16xf32>,
      %parallel_loop3A_261 = arith.constant 35 : i32
      %parallel_loop3A_262 = arith.index_cast %parallel_loop3A_261 : i32 to index
      %parallel_loop3A_263 = arith.index_cast %parallel_loop3A_34 : i32 to index
      %parallel_loop3A_264 = tpu.vector_load %arg6[%parallel_loop3A_262, %parallel_loop3A_263] {strides = array<i32>} : memref<128x128xf32, #tpu.memory_space<vmem>>, vector<16xf32>,
      %parallel_loop3A_265 = arith.constant 51 : i32
      %parallel_loop3A_266 = arith.index_cast %parallel_loop3A_265 : i32 to index
      %parallel_loop3A_267 = arith.index_cast %parallel_loop3A_34 : i32 to index
      %parallel_loop3A_268 = tpu.vector_load %arg6[%parallel_loop3A_266, %parallel_loop3A_267] {strides = array<i32>} : memref<128x128xf32, #tpu.memory_space<vmem>>, vector<16xf32>,
      %parallel_loop3A_269 = arith.constant 67 : i32
      %parallel_loop3A_270 = arith.index_cast %parallel_loop3A_269 : i32 to index
      %parallel_loop3A_271 = arith.index_cast %parallel_loop3A_34 : i32 to index
      %parallel_loop3A_272 = tpu.vector_load %arg6[%parallel_loop3A_270, %parallel_loop3A_271] {strides = array<i32>} : memref<128x128xf32, #tpu.memory_space<vmem>>, vector<16xf32>,
      %parallel_loop3A_273 = arith.constant 83 : i32
      %parallel_loop3A_274 = arith.index_cast %parallel_loop3A_273 : i32 to index
      %parallel_loop3A_275 = arith.index_cast %parallel_loop3A_34 : i32 to index
      %parallel_loop3A_276 = tpu.vector_load %arg6[%parallel_loop3A_274, %parallel_loop3A_275] {strides = array<i32>} : memref<128x128xf32, #tpu.memory_space<vmem>>, vector<16xf32>,
      %parallel_loop3A_277 = arith.constant 99 : i32
      %parallel_loop3A_278 = arith.index_cast %parallel_loop3A_277 : i32 to index
      %parallel_loop3A_279 = arith.index_cast %parallel_loop3A_34 : i32 to index
      %parallel_loop3A_280 = tpu.vector_load %arg6[%parallel_loop3A_278, %parallel_loop3A_279] {strides = array<i32>} : memref<128x128xf32, #tpu.memory_space<vmem>>, vector<16xf32>,
      %parallel_loop3A_281 = arith.constant 115 : i32
      %parallel_loop3A_282 = arith.index_cast %parallel_loop3A_281 : i32 to index
      %parallel_loop3A_283 = arith.index_cast %parallel_loop3A_34 : i32 to index
      %parallel_loop3A_284 = tpu.vector_load %arg6[%parallel_loop3A_282, %parallel_loop3A_283] {strides = array<i32>} : memref<128x128xf32, #tpu.memory_space<vmem>>, vector<16xf32>,
      %parallel_loop3A_285 = arith.constant 0 : i32
      %parallel_loop3A_286 = vector.broadcast %parallel_loop3A_285 : i32 to vector<16xi32>
      %parallel_loop3A_287 = arith.addi %parallel_loop3A_182, %parallel_loop3A_286 : vector<16xi32>
      %parallel_loop3A_288 = arith.constant 384 : i32
      %parallel_loop3A_289 = vector.broadcast %parallel_loop3A_288 : i32 to vector<16xi32>
      %parallel_loop3A_290 = arith.addi %parallel_loop3A_182, %parallel_loop3A_289 : vector<16xi32>
      %parallel_loop3A_291 = arith.constant 768 : i32
      %parallel_loop3A_292 = vector.broadcast %parallel_loop3A_291 : i32 to vector<16xi32>
      %parallel_loop3A_293 = arith.addi %parallel_loop3A_182, %parallel_loop3A_292 : vector<16xi32>
      %parallel_loop3A_294 = arith.constant 1152 : i32
      %parallel_loop3A_295 = vector.broadcast %parallel_loop3A_294 : i32 to vector<16xi32>
      %parallel_loop3A_296 = arith.addi %parallel_loop3A_182, %parallel_loop3A_295 : vector<16xi32>
      %parallel_loop3A_297 = arith.constant 1536 : i32
      %parallel_loop3A_298 = vector.broadcast %parallel_loop3A_297 : i32 to vector<16xi32>
      %parallel_loop3A_299 = arith.addi %parallel_loop3A_182, %parallel_loop3A_298 : vector<16xi32>
      %parallel_loop3A_300 = arith.constant 1920 : i32
      %parallel_loop3A_301 = vector.broadcast %parallel_loop3A_300 : i32 to vector<16xi32>
      %parallel_loop3A_302 = arith.addi %parallel_loop3A_182, %parallel_loop3A_301 : vector<16xi32>
      %parallel_loop3A_303 = arith.constant 2304 : i32
      %parallel_loop3A_304 = vector.broadcast %parallel_loop3A_303 : i32 to vector<16xi32>
      %parallel_loop3A_305 = arith.addi %parallel_loop3A_182, %parallel_loop3A_304 : vector<16xi32>
      %parallel_loop3A_306 = arith.constant 2688 : i32
      %parallel_loop3A_307 = vector.broadcast %parallel_loop3A_306 : i32 to vector<16xi32>
      %parallel_loop3A_308 = arith.addi %parallel_loop3A_182, %parallel_loop3A_307 : vector<16xi32>
      %parallel_loop3A_309 = arith.mulf %parallel_loop3A_256, %parallel_loop3A_36 : vector<16xf32>
      %parallel_loop3A_310 = arith.mulf %parallel_loop3A_260, %parallel_loop3A_36 : vector<16xf32>
      %parallel_loop3A_311 = arith.mulf %parallel_loop3A_264, %parallel_loop3A_36 : vector<16xf32>
      %parallel_loop3A_312 = arith.mulf %parallel_loop3A_268, %parallel_loop3A_36 : vector<16xf32>
      %parallel_loop3A_313 = arith.mulf %parallel_loop3A_272, %parallel_loop3A_36 : vector<16xf32>
      %parallel_loop3A_314 = arith.mulf %parallel_loop3A_276, %parallel_loop3A_36 : vector<16xf32>
      %parallel_loop3A_315 = arith.mulf %parallel_loop3A_280, %parallel_loop3A_36 : vector<16xf32>
      %parallel_loop3A_316 = arith.mulf %parallel_loop3A_284, %parallel_loop3A_36 : vector<16xf32>
      tpu.vector_store_idx %arg9[%parallel_loop3A_287], %parallel_loop3A_309 masked %parallel_loop3A_252 {add = true} : memref<3072xf32, #tpu.memory_space<vmem>>[vector<16xi32>], vector<16xf32>, vector<16xi1>
      tpu.vector_store_idx %arg9[%parallel_loop3A_290], %parallel_loop3A_310 masked %parallel_loop3A_252 {add = true} : memref<3072xf32, #tpu.memory_space<vmem>>[vector<16xi32>], vector<16xf32>, vector<16xi1>
      tpu.vector_store_idx %arg9[%parallel_loop3A_293], %parallel_loop3A_311 masked %parallel_loop3A_252 {add = true} : memref<3072xf32, #tpu.memory_space<vmem>>[vector<16xi32>], vector<16xf32>, vector<16xi1>
      tpu.vector_store_idx %arg9[%parallel_loop3A_296], %parallel_loop3A_312 masked %parallel_loop3A_252 {add = true} : memref<3072xf32, #tpu.memory_space<vmem>>[vector<16xi32>], vector<16xf32>, vector<16xi1>
      tpu.vector_store_idx %arg9[%parallel_loop3A_299], %parallel_loop3A_313 masked %parallel_loop3A_252 {add = true} : memref<3072xf32, #tpu.memory_space<vmem>>[vector<16xi32>], vector<16xf32>, vector<16xi1>
      tpu.vector_store_idx %arg9[%parallel_loop3A_302], %parallel_loop3A_314 masked %parallel_loop3A_252 {add = true} : memref<3072xf32, #tpu.memory_space<vmem>>[vector<16xi32>], vector<16xf32>, vector<16xi1>
      tpu.vector_store_idx %arg9[%parallel_loop3A_305], %parallel_loop3A_315 masked %parallel_loop3A_252 {add = true} : memref<3072xf32, #tpu.memory_space<vmem>>[vector<16xi32>], vector<16xf32>, vector<16xi1>
      tpu.vector_store_idx %arg9[%parallel_loop3A_308], %parallel_loop3A_316 masked %parallel_loop3A_252 {add = true} : memref<3072xf32, #tpu.memory_space<vmem>>[vector<16xi32>], vector<16xf32>, vector<16xi1>
      %parallel_loop3A_317 = arith.constant 5 : i32
      %parallel_loop3A_318 = arith.index_cast %parallel_loop3A_317 : i32 to index
      %parallel_loop3A_319 = arith.index_cast %parallel_loop3A_34 : i32 to index
      %parallel_loop3A_320 = tpu.vector_load %arg7[%parallel_loop3A_318, %parallel_loop3A_319] {strides = array<i32>} : memref<16x128xi32, #tpu.memory_space<vmem>>, vector<16xi32>,
      %parallel_loop3A_321 = arith.cmpi ne, %parallel_loop3A_251, %parallel_loop3A_320 : vector<16xi32>
      %parallel_loop3A_322 = arith.constant 4 : i32
      %parallel_loop3A_323 = arith.index_cast %parallel_loop3A_322 : i32 to index
      %parallel_loop3A_324 = arith.index_cast %parallel_loop3A_34 : i32 to index
      %parallel_loop3A_325 = tpu.vector_load %arg6[%parallel_loop3A_323, %parallel_loop3A_324] {strides = array<i32>} : memref<128x128xf32, #tpu.memory_space<vmem>>, vector<16xf32>,
      %parallel_loop3A_326 = arith.constant 20 : i32
      %parallel_loop3A_327 = arith.index_cast %parallel_loop3A_326 : i32 to index
      %parallel_loop3A_328 = arith.index_cast %parallel_loop3A_34 : i32 to index
      %parallel_loop3A_329 = tpu.vector_load %arg6[%parallel_loop3A_327, %parallel_loop3A_328] {strides = array<i32>} : memref<128x128xf32, #tpu.memory_space<vmem>>, vector<16xf32>,
      %parallel_loop3A_330 = arith.constant 36 : i32
      %parallel_loop3A_331 = arith.index_cast %parallel_loop3A_330 : i32 to index
      %parallel_loop3A_332 = arith.index_cast %parallel_loop3A_34 : i32 to index
      %parallel_loop3A_333 = tpu.vector_load %arg6[%parallel_loop3A_331, %parallel_loop3A_332] {strides = array<i32>} : memref<128x128xf32, #tpu.memory_space<vmem>>, vector<16xf32>,
      %parallel_loop3A_334 = arith.constant 52 : i32
      %parallel_loop3A_335 = arith.index_cast %parallel_loop3A_334 : i32 to index
      %parallel_loop3A_336 = arith.index_cast %parallel_loop3A_34 : i32 to index
      %parallel_loop3A_337 = tpu.vector_load %arg6[%parallel_loop3A_335, %parallel_loop3A_336] {strides = array<i32>} : memref<128x128xf32, #tpu.memory_space<vmem>>, vector<16xf32>,
      %parallel_loop3A_338 = arith.constant 68 : i32
      %parallel_loop3A_339 = arith.index_cast %parallel_loop3A_338 : i32 to index
      %parallel_loop3A_340 = arith.index_cast %parallel_loop3A_34 : i32 to index
      %parallel_loop3A_341 = tpu.vector_load %arg6[%parallel_loop3A_339, %parallel_loop3A_340] {strides = array<i32>} : memref<128x128xf32, #tpu.memory_space<vmem>>, vector<16xf32>,
      %parallel_loop3A_342 = arith.constant 84 : i32
      %parallel_loop3A_343 = arith.index_cast %parallel_loop3A_342 : i32 to index
      %parallel_loop3A_344 = arith.index_cast %parallel_loop3A_34 : i32 to index
      %parallel_loop3A_345 = tpu.vector_load %arg6[%parallel_loop3A_343, %parallel_loop3A_344] {strides = array<i32>} : memref<128x128xf32, #tpu.memory_space<vmem>>, vector<16xf32>,
      %parallel_loop3A_346 = arith.constant 100 : i32
      %parallel_loop3A_347 = arith.index_cast %parallel_loop3A_346 : i32 to index
      %parallel_loop3A_348 = arith.index_cast %parallel_loop3A_34 : i32 to index
      %parallel_loop3A_349 = tpu.vector_load %arg6[%parallel_loop3A_347, %parallel_loop3A_348] {strides = array<i32>} : memref<128x128xf32, #tpu.memory_space<vmem>>, vector<16xf32>,
      %parallel_loop3A_350 = arith.constant 116 : i32
      %parallel_loop3A_351 = arith.index_cast %parallel_loop3A_350 : i32 to index
      %parallel_loop3A_352 = arith.index_cast %parallel_loop3A_34 : i32 to index
      %parallel_loop3A_353 = tpu.vector_load %arg6[%parallel_loop3A_351, %parallel_loop3A_352] {strides = array<i32>} : memref<128x128xf32, #tpu.memory_space<vmem>>, vector<16xf32>,
      %parallel_loop3A_354 = arith.constant 0 : i32
      %parallel_loop3A_355 = vector.broadcast %parallel_loop3A_354 : i32 to vector<16xi32>
      %parallel_loop3A_356 = arith.addi %parallel_loop3A_251, %parallel_loop3A_355 : vector<16xi32>
      %parallel_loop3A_357 = arith.constant 384 : i32
      %parallel_loop3A_358 = vector.broadcast %parallel_loop3A_357 : i32 to vector<16xi32>
      %parallel_loop3A_359 = arith.addi %parallel_loop3A_251, %parallel_loop3A_358 : vector<16xi32>
      %parallel_loop3A_360 = arith.constant 768 : i32
      %parallel_loop3A_361 = vector.broadcast %parallel_loop3A_360 : i32 to vector<16xi32>
      %parallel_loop3A_362 = arith.addi %parallel_loop3A_251, %parallel_loop3A_361 : vector<16xi32>
      %parallel_loop3A_363 = arith.constant 1152 : i32
      %parallel_loop3A_364 = vector.broadcast %parallel_loop3A_363 : i32 to vector<16xi32>
      %parallel_loop3A_365 = arith.addi %parallel_loop3A_251, %parallel_loop3A_364 : vector<16xi32>
      %parallel_loop3A_366 = arith.constant 1536 : i32
      %parallel_loop3A_367 = vector.broadcast %parallel_loop3A_366 : i32 to vector<16xi32>
      %parallel_loop3A_368 = arith.addi %parallel_loop3A_251, %parallel_loop3A_367 : vector<16xi32>
      %parallel_loop3A_369 = arith.constant 1920 : i32
      %parallel_loop3A_370 = vector.broadcast %parallel_loop3A_369 : i32 to vector<16xi32>
      %parallel_loop3A_371 = arith.addi %parallel_loop3A_251, %parallel_loop3A_370 : vector<16xi32>
      %parallel_loop3A_372 = arith.constant 2304 : i32
      %parallel_loop3A_373 = vector.broadcast %parallel_loop3A_372 : i32 to vector<16xi32>
      %parallel_loop3A_374 = arith.addi %parallel_loop3A_251, %parallel_loop3A_373 : vector<16xi32>
      %parallel_loop3A_375 = arith.constant 2688 : i32
      %parallel_loop3A_376 = vector.broadcast %parallel_loop3A_375 : i32 to vector<16xi32>
      %parallel_loop3A_377 = arith.addi %parallel_loop3A_251, %parallel_loop3A_376 : vector<16xi32>
      %parallel_loop3A_378 = arith.mulf %parallel_loop3A_325, %parallel_loop3A_36 : vector<16xf32>
      %parallel_loop3A_379 = arith.mulf %parallel_loop3A_329, %parallel_loop3A_36 : vector<16xf32>
      %parallel_loop3A_380 = arith.mulf %parallel_loop3A_333, %parallel_loop3A_36 : vector<16xf32>
      %parallel_loop3A_381 = arith.mulf %parallel_loop3A_337, %parallel_loop3A_36 : vector<16xf32>
      %parallel_loop3A_382 = arith.mulf %parallel_loop3A_341, %parallel_loop3A_36 : vector<16xf32>
      %parallel_loop3A_383 = arith.mulf %parallel_loop3A_345, %parallel_loop3A_36 : vector<16xf32>
      %parallel_loop3A_384 = arith.mulf %parallel_loop3A_349, %parallel_loop3A_36 : vector<16xf32>
      %parallel_loop3A_385 = arith.mulf %parallel_loop3A_353, %parallel_loop3A_36 : vector<16xf32>
      tpu.vector_store_idx %arg9[%parallel_loop3A_356], %parallel_loop3A_378 masked %parallel_loop3A_321 {add = true} : memref<3072xf32, #tpu.memory_space<vmem>>[vector<16xi32>], vector<16xf32>, vector<16xi1>
      tpu.vector_store_idx %arg9[%parallel_loop3A_359], %parallel_loop3A_379 masked %parallel_loop3A_321 {add = true} : memref<3072xf32, #tpu.memory_space<vmem>>[vector<16xi32>], vector<16xf32>, vector<16xi1>
      tpu.vector_store_idx %arg9[%parallel_loop3A_362], %parallel_loop3A_380 masked %parallel_loop3A_321 {add = true} : memref<3072xf32, #tpu.memory_space<vmem>>[vector<16xi32>], vector<16xf32>, vector<16xi1>
      tpu.vector_store_idx %arg9[%parallel_loop3A_365], %parallel_loop3A_381 masked %parallel_loop3A_321 {add = true} : memref<3072xf32, #tpu.memory_space<vmem>>[vector<16xi32>], vector<16xf32>, vector<16xi1>
      tpu.vector_store_idx %arg9[%parallel_loop3A_368], %parallel_loop3A_382 masked %parallel_loop3A_321 {add = true} : memref<3072xf32, #tpu.memory_space<vmem>>[vector<16xi32>], vector<16xf32>, vector<16xi1>
      tpu.vector_store_idx %arg9[%parallel_loop3A_371], %parallel_loop3A_383 masked %parallel_loop3A_321 {add = true} : memref<3072xf32, #tpu.memory_space<vmem>>[vector<16xi32>], vector<16xf32>, vector<16xi1>
      tpu.vector_store_idx %arg9[%parallel_loop3A_374], %parallel_loop3A_384 masked %parallel_loop3A_321 {add = true} : memref<3072xf32, #tpu.memory_space<vmem>>[vector<16xi32>], vector<16xf32>, vector<16xi1>
      tpu.vector_store_idx %arg9[%parallel_loop3A_377], %parallel_loop3A_385 masked %parallel_loop3A_321 {add = true} : memref<3072xf32, #tpu.memory_space<vmem>>[vector<16xi32>], vector<16xf32>, vector<16xi1>
      %parallel_loop3A_386 = arith.constant 6 : i32
      %parallel_loop3A_387 = arith.index_cast %parallel_loop3A_386 : i32 to index
      %parallel_loop3A_388 = arith.index_cast %parallel_loop3A_34 : i32 to index
      %parallel_loop3A_389 = tpu.vector_load %arg7[%parallel_loop3A_387, %parallel_loop3A_388] {strides = array<i32>} : memref<16x128xi32, #tpu.memory_space<vmem>>, vector<16xi32>,
      %parallel_loop3A_390 = arith.cmpi ne, %parallel_loop3A_320, %parallel_loop3A_389 : vector<16xi32>
      %parallel_loop3A_391 = arith.constant 5 : i32
      %parallel_loop3A_392 = arith.index_cast %parallel_loop3A_391 : i32 to index
      %parallel_loop3A_393 = arith.index_cast %parallel_loop3A_34 : i32 to index
      %parallel_loop3A_394 = tpu.vector_load %arg6[%parallel_loop3A_392, %parallel_loop3A_393] {strides = array<i32>} : memref<128x128xf32, #tpu.memory_space<vmem>>, vector<16xf32>,
      %parallel_loop3A_395 = arith.constant 21 : i32
      %parallel_loop3A_396 = arith.index_cast %parallel_loop3A_395 : i32 to index
      %parallel_loop3A_397 = arith.index_cast %parallel_loop3A_34 : i32 to index
      %parallel_loop3A_398 = tpu.vector_load %arg6[%parallel_loop3A_396, %parallel_loop3A_397] {strides = array<i32>} : memref<128x128xf32, #tpu.memory_space<vmem>>, vector<16xf32>,
      %parallel_loop3A_399 = arith.constant 37 : i32
      %parallel_loop3A_400 = arith.index_cast %parallel_loop3A_399 : i32 to index
      %parallel_loop3A_401 = arith.index_cast %parallel_loop3A_34 : i32 to index
      %parallel_loop3A_402 = tpu.vector_load %arg6[%parallel_loop3A_400, %parallel_loop3A_401] {strides = array<i32>} : memref<128x128xf32, #tpu.memory_space<vmem>>, vector<16xf32>,
      %parallel_loop3A_403 = arith.constant 53 : i32
      %parallel_loop3A_404 = arith.index_cast %parallel_loop3A_403 : i32 to index
      %parallel_loop3A_405 = arith.index_cast %parallel_loop3A_34 : i32 to index
      %parallel_loop3A_406 = tpu.vector_load %arg6[%parallel_loop3A_404, %parallel_loop3A_405] {strides = array<i32>} : memref<128x128xf32, #tpu.memory_space<vmem>>, vector<16xf32>,
      %parallel_loop3A_407 = arith.constant 69 : i32
      %parallel_loop3A_408 = arith.index_cast %parallel_loop3A_407 : i32 to index
      %parallel_loop3A_409 = arith.index_cast %parallel_loop3A_34 : i32 to index
      %parallel_loop3A_410 = tpu.vector_load %arg6[%parallel_loop3A_408, %parallel_loop3A_409] {strides = array<i32>} : memref<128x128xf32, #tpu.memory_space<vmem>>, vector<16xf32>,
      %parallel_loop3A_411 = arith.constant 85 : i32
      %parallel_loop3A_412 = arith.index_cast %parallel_loop3A_411 : i32 to index
      %parallel_loop3A_413 = arith.index_cast %parallel_loop3A_34 : i32 to index
      %parallel_loop3A_414 = tpu.vector_load %arg6[%parallel_loop3A_412, %parallel_loop3A_413] {strides = array<i32>} : memref<128x128xf32, #tpu.memory_space<vmem>>, vector<16xf32>,
      %parallel_loop3A_415 = arith.constant 101 : i32
      %parallel_loop3A_416 = arith.index_cast %parallel_loop3A_415 : i32 to index
      %parallel_loop3A_417 = arith.index_cast %parallel_loop3A_34 : i32 to index
      %parallel_loop3A_418 = tpu.vector_load %arg6[%parallel_loop3A_416, %parallel_loop3A_417] {strides = array<i32>} : memref<128x128xf32, #tpu.memory_space<vmem>>, vector<16xf32>,
      %parallel_loop3A_419 = arith.constant 117 : i32
      %parallel_loop3A_420 = arith.index_cast %parallel_loop3A_419 : i32 to index
      %parallel_loop3A_421 = arith.index_cast %parallel_loop3A_34 : i32 to index
      %parallel_loop3A_422 = tpu.vector_load %arg6[%parallel_loop3A_420, %parallel_loop3A_421] {strides = array<i32>} : memref<128x128xf32, #tpu.memory_space<vmem>>, vector<16xf32>,
      %parallel_loop3A_423 = arith.constant 0 : i32
      %parallel_loop3A_424 = vector.broadcast %parallel_loop3A_423 : i32 to vector<16xi32>
      %parallel_loop3A_425 = arith.addi %parallel_loop3A_320, %parallel_loop3A_424 : vector<16xi32>
      %parallel_loop3A_426 = arith.constant 384 : i32
      %parallel_loop3A_427 = vector.broadcast %parallel_loop3A_426 : i32 to vector<16xi32>
      %parallel_loop3A_428 = arith.addi %parallel_loop3A_320, %parallel_loop3A_427 : vector<16xi32>
      %parallel_loop3A_429 = arith.constant 768 : i32
      %parallel_loop3A_430 = vector.broadcast %parallel_loop3A_429 : i32 to vector<16xi32>
      %parallel_loop3A_431 = arith.addi %parallel_loop3A_320, %parallel_loop3A_430 : vector<16xi32>
      %parallel_loop3A_432 = arith.constant 1152 : i32
      %parallel_loop3A_433 = vector.broadcast %parallel_loop3A_432 : i32 to vector<16xi32>
      %parallel_loop3A_434 = arith.addi %parallel_loop3A_320, %parallel_loop3A_433 : vector<16xi32>
      %parallel_loop3A_435 = arith.constant 1536 : i32
      %parallel_loop3A_436 = vector.broadcast %parallel_loop3A_435 : i32 to vector<16xi32>
      %parallel_loop3A_437 = arith.addi %parallel_loop3A_320, %parallel_loop3A_436 : vector<16xi32>
      %parallel_loop3A_438 = arith.constant 1920 : i32
      %parallel_loop3A_439 = vector.broadcast %parallel_loop3A_438 : i32 to vector<16xi32>
      %parallel_loop3A_440 = arith.addi %parallel_loop3A_320, %parallel_loop3A_439 : vector<16xi32>
      %parallel_loop3A_441 = arith.constant 2304 : i32
      %parallel_loop3A_442 = vector.broadcast %parallel_loop3A_441 : i32 to vector<16xi32>
      %parallel_loop3A_443 = arith.addi %parallel_loop3A_320, %parallel_loop3A_442 : vector<16xi32>
      %parallel_loop3A_444 = arith.constant 2688 : i32
      %parallel_loop3A_445 = vector.broadcast %parallel_loop3A_444 : i32 to vector<16xi32>
      %parallel_loop3A_446 = arith.addi %parallel_loop3A_320, %parallel_loop3A_445 : vector<16xi32>
      %parallel_loop3A_447 = arith.mulf %parallel_loop3A_394, %parallel_loop3A_36 : vector<16xf32>
      %parallel_loop3A_448 = arith.mulf %parallel_loop3A_398, %parallel_loop3A_36 : vector<16xf32>
      %parallel_loop3A_449 = arith.mulf %parallel_loop3A_402, %parallel_loop3A_36 : vector<16xf32>
      %parallel_loop3A_450 = arith.mulf %parallel_loop3A_406, %parallel_loop3A_36 : vector<16xf32>
      %parallel_loop3A_451 = arith.mulf %parallel_loop3A_410, %parallel_loop3A_36 : vector<16xf32>
      %parallel_loop3A_452 = arith.mulf %parallel_loop3A_414, %parallel_loop3A_36 : vector<16xf32>
      %parallel_loop3A_453 = arith.mulf %parallel_loop3A_418, %parallel_loop3A_36 : vector<16xf32>
      %parallel_loop3A_454 = arith.mulf %parallel_loop3A_422, %parallel_loop3A_36 : vector<16xf32>
      tpu.vector_store_idx %arg9[%parallel_loop3A_425], %parallel_loop3A_447 masked %parallel_loop3A_390 {add = true} : memref<3072xf32, #tpu.memory_space<vmem>>[vector<16xi32>], vector<16xf32>, vector<16xi1>
      tpu.vector_store_idx %arg9[%parallel_loop3A_428], %parallel_loop3A_448 masked %parallel_loop3A_390 {add = true} : memref<3072xf32, #tpu.memory_space<vmem>>[vector<16xi32>], vector<16xf32>, vector<16xi1>
      tpu.vector_store_idx %arg9[%parallel_loop3A_431], %parallel_loop3A_449 masked %parallel_loop3A_390 {add = true} : memref<3072xf32, #tpu.memory_space<vmem>>[vector<16xi32>], vector<16xf32>, vector<16xi1>
      tpu.vector_store_idx %arg9[%parallel_loop3A_434], %parallel_loop3A_450 masked %parallel_loop3A_390 {add = true} : memref<3072xf32, #tpu.memory_space<vmem>>[vector<16xi32>], vector<16xf32>, vector<16xi1>
      tpu.vector_store_idx %arg9[%parallel_loop3A_437], %parallel_loop3A_451 masked %parallel_loop3A_390 {add = true} : memref<3072xf32, #tpu.memory_space<vmem>>[vector<16xi32>], vector<16xf32>, vector<16xi1>
      tpu.vector_store_idx %arg9[%parallel_loop3A_440], %parallel_loop3A_452 masked %parallel_loop3A_390 {add = true} : memref<3072xf32, #tpu.memory_space<vmem>>[vector<16xi32>], vector<16xf32>, vector<16xi1>
      tpu.vector_store_idx %arg9[%parallel_loop3A_443], %parallel_loop3A_453 masked %parallel_loop3A_390 {add = true} : memref<3072xf32, #tpu.memory_space<vmem>>[vector<16xi32>], vector<16xf32>, vector<16xi1>
      tpu.vector_store_idx %arg9[%parallel_loop3A_446], %parallel_loop3A_454 masked %parallel_loop3A_390 {add = true} : memref<3072xf32, #tpu.memory_space<vmem>>[vector<16xi32>], vector<16xf32>, vector<16xi1>
      %parallel_loop3A_455 = arith.constant 7 : i32
      %parallel_loop3A_456 = arith.index_cast %parallel_loop3A_455 : i32 to index
      %parallel_loop3A_457 = arith.index_cast %parallel_loop3A_34 : i32 to index
      %parallel_loop3A_458 = tpu.vector_load %arg7[%parallel_loop3A_456, %parallel_loop3A_457] {strides = array<i32>} : memref<16x128xi32, #tpu.memory_space<vmem>>, vector<16xi32>,
      %parallel_loop3A_459 = arith.cmpi ne, %parallel_loop3A_389, %parallel_loop3A_458 : vector<16xi32>
      %parallel_loop3A_460 = arith.constant 6 : i32
      %parallel_loop3A_461 = arith.index_cast %parallel_loop3A_460 : i32 to index
      %parallel_loop3A_462 = arith.index_cast %parallel_loop3A_34 : i32 to index
      %parallel_loop3A_463 = tpu.vector_load %arg6[%parallel_loop3A_461, %parallel_loop3A_462] {strides = array<i32>} : memref<128x128xf32, #tpu.memory_space<vmem>>, vector<16xf32>,
      %parallel_loop3A_464 = arith.constant 22 : i32
      %parallel_loop3A_465 = arith.index_cast %parallel_loop3A_464 : i32 to index
      %parallel_loop3A_466 = arith.index_cast %parallel_loop3A_34 : i32 to index
      %parallel_loop3A_467 = tpu.vector_load %arg6[%parallel_loop3A_465, %parallel_loop3A_466] {strides = array<i32>} : memref<128x128xf32, #tpu.memory_space<vmem>>, vector<16xf32>,
      %parallel_loop3A_468 = arith.constant 38 : i32
      %parallel_loop3A_469 = arith.index_cast %parallel_loop3A_468 : i32 to index
      %parallel_loop3A_470 = arith.index_cast %parallel_loop3A_34 : i32 to index
      %parallel_loop3A_471 = tpu.vector_load %arg6[%parallel_loop3A_469, %parallel_loop3A_470] {strides = array<i32>} : memref<128x128xf32, #tpu.memory_space<vmem>>, vector<16xf32>,
      %parallel_loop3A_472 = arith.constant 54 : i32
      %parallel_loop3A_473 = arith.index_cast %parallel_loop3A_472 : i32 to index
      %parallel_loop3A_474 = arith.index_cast %parallel_loop3A_34 : i32 to index
      %parallel_loop3A_475 = tpu.vector_load %arg6[%parallel_loop3A_473, %parallel_loop3A_474] {strides = array<i32>} : memref<128x128xf32, #tpu.memory_space<vmem>>, vector<16xf32>,
      %parallel_loop3A_476 = arith.constant 70 : i32
      %parallel_loop3A_477 = arith.index_cast %parallel_loop3A_476 : i32 to index
      %parallel_loop3A_478 = arith.index_cast %parallel_loop3A_34 : i32 to index
      %parallel_loop3A_479 = tpu.vector_load %arg6[%parallel_loop3A_477, %parallel_loop3A_478] {strides = array<i32>} : memref<128x128xf32, #tpu.memory_space<vmem>>, vector<16xf32>,
      %parallel_loop3A_480 = arith.constant 86 : i32
      %parallel_loop3A_481 = arith.index_cast %parallel_loop3A_480 : i32 to index
      %parallel_loop3A_482 = arith.index_cast %parallel_loop3A_34 : i32 to index
      %parallel_loop3A_483 = tpu.vector_load %arg6[%parallel_loop3A_481, %parallel_loop3A_482] {strides = array<i32>} : memref<128x128xf32, #tpu.memory_space<vmem>>, vector<16xf32>,
      %parallel_loop3A_484 = arith.constant 102 : i32
      %parallel_loop3A_485 = arith.index_cast %parallel_loop3A_484 : i32 to index
      %parallel_loop3A_486 = arith.index_cast %parallel_loop3A_34 : i32 to index
      %parallel_loop3A_487 = tpu.vector_load %arg6[%parallel_loop3A_485, %parallel_loop3A_486] {strides = array<i32>} : memref<128x128xf32, #tpu.memory_space<vmem>>, vector<16xf32>,
      %parallel_loop3A_488 = arith.constant 118 : i32
      %parallel_loop3A_489 = arith.index_cast %parallel_loop3A_488 : i32 to index
      %parallel_loop3A_490 = arith.index_cast %parallel_loop3A_34 : i32 to index
      %parallel_loop3A_491 = tpu.vector_load %arg6[%parallel_loop3A_489, %parallel_loop3A_490] {strides = array<i32>} : memref<128x128xf32, #tpu.memory_space<vmem>>, vector<16xf32>,
      %parallel_loop3A_492 = arith.constant 0 : i32
      %parallel_loop3A_493 = vector.broadcast %parallel_loop3A_492 : i32 to vector<16xi32>
      %parallel_loop3A_494 = arith.addi %parallel_loop3A_389, %parallel_loop3A_493 : vector<16xi32>
      %parallel_loop3A_495 = arith.constant 384 : i32
      %parallel_loop3A_496 = vector.broadcast %parallel_loop3A_495 : i32 to vector<16xi32>
      %parallel_loop3A_497 = arith.addi %parallel_loop3A_389, %parallel_loop3A_496 : vector<16xi32>
      %parallel_loop3A_498 = arith.constant 768 : i32
      %parallel_loop3A_499 = vector.broadcast %parallel_loop3A_498 : i32 to vector<16xi32>
      %parallel_loop3A_500 = arith.addi %parallel_loop3A_389, %parallel_loop3A_499 : vector<16xi32>
      %parallel_loop3A_501 = arith.constant 1152 : i32
      %parallel_loop3A_502 = vector.broadcast %parallel_loop3A_501 : i32 to vector<16xi32>
      %parallel_loop3A_503 = arith.addi %parallel_loop3A_389, %parallel_loop3A_502 : vector<16xi32>
      %parallel_loop3A_504 = arith.constant 1536 : i32
      %parallel_loop3A_505 = vector.broadcast %parallel_loop3A_504 : i32 to vector<16xi32>
      %parallel_loop3A_506 = arith.addi %parallel_loop3A_389, %parallel_loop3A_505 : vector<16xi32>
      %parallel_loop3A_507 = arith.constant 1920 : i32
      %parallel_loop3A_508 = vector.broadcast %parallel_loop3A_507 : i32 to vector<16xi32>
      %parallel_loop3A_509 = arith.addi %parallel_loop3A_389, %parallel_loop3A_508 : vector<16xi32>
      %parallel_loop3A_510 = arith.constant 2304 : i32
      %parallel_loop3A_511 = vector.broadcast %parallel_loop3A_510 : i32 to vector<16xi32>
      %parallel_loop3A_512 = arith.addi %parallel_loop3A_389, %parallel_loop3A_511 : vector<16xi32>
      %parallel_loop3A_513 = arith.constant 2688 : i32
      %parallel_loop3A_514 = vector.broadcast %parallel_loop3A_513 : i32 to vector<16xi32>
      %parallel_loop3A_515 = arith.addi %parallel_loop3A_389, %parallel_loop3A_514 : vector<16xi32>
      %parallel_loop3A_516 = arith.mulf %parallel_loop3A_463, %parallel_loop3A_36 : vector<16xf32>
      %parallel_loop3A_517 = arith.mulf %parallel_loop3A_467, %parallel_loop3A_36 : vector<16xf32>
      %parallel_loop3A_518 = arith.mulf %parallel_loop3A_471, %parallel_loop3A_36 : vector<16xf32>
      %parallel_loop3A_519 = arith.mulf %parallel_loop3A_475, %parallel_loop3A_36 : vector<16xf32>
      %parallel_loop3A_520 = arith.mulf %parallel_loop3A_479, %parallel_loop3A_36 : vector<16xf32>
      %parallel_loop3A_521 = arith.mulf %parallel_loop3A_483, %parallel_loop3A_36 : vector<16xf32>
      %parallel_loop3A_522 = arith.mulf %parallel_loop3A_487, %parallel_loop3A_36 : vector<16xf32>
      %parallel_loop3A_523 = arith.mulf %parallel_loop3A_491, %parallel_loop3A_36 : vector<16xf32>
      tpu.vector_store_idx %arg9[%parallel_loop3A_494], %parallel_loop3A_516 masked %parallel_loop3A_459 {add = true} : memref<3072xf32, #tpu.memory_space<vmem>>[vector<16xi32>], vector<16xf32>, vector<16xi1>
      tpu.vector_store_idx %arg9[%parallel_loop3A_497], %parallel_loop3A_517 masked %parallel_loop3A_459 {add = true} : memref<3072xf32, #tpu.memory_space<vmem>>[vector<16xi32>], vector<16xf32>, vector<16xi1>
      tpu.vector_store_idx %arg9[%parallel_loop3A_500], %parallel_loop3A_518 masked %parallel_loop3A_459 {add = true} : memref<3072xf32, #tpu.memory_space<vmem>>[vector<16xi32>], vector<16xf32>, vector<16xi1>
      tpu.vector_store_idx %arg9[%parallel_loop3A_503], %parallel_loop3A_519 masked %parallel_loop3A_459 {add = true} : memref<3072xf32, #tpu.memory_space<vmem>>[vector<16xi32>], vector<16xf32>, vector<16xi1>
      tpu.vector_store_idx %arg9[%parallel_loop3A_506], %parallel_loop3A_520 masked %parallel_loop3A_459 {add = true} : memref<3072xf32, #tpu.memory_space<vmem>>[vector<16xi32>], vector<16xf32>, vector<16xi1>
      tpu.vector_store_idx %arg9[%parallel_loop3A_509], %parallel_loop3A_521 masked %parallel_loop3A_459 {add = true} : memref<3072xf32, #tpu.memory_space<vmem>>[vector<16xi32>], vector<16xf32>, vector<16xi1>
      tpu.vector_store_idx %arg9[%parallel_loop3A_512], %parallel_loop3A_522 masked %parallel_loop3A_459 {add = true} : memref<3072xf32, #tpu.memory_space<vmem>>[vector<16xi32>], vector<16xf32>, vector<16xi1>
      tpu.vector_store_idx %arg9[%parallel_loop3A_515], %parallel_loop3A_523 masked %parallel_loop3A_459 {add = true} : memref<3072xf32, #tpu.memory_space<vmem>>[vector<16xi32>], vector<16xf32>, vector<16xi1>
      %parallel_loop3A_524 = arith.constant 8 : i32
      %parallel_loop3A_525 = arith.index_cast %parallel_loop3A_524 : i32 to index
      %parallel_loop3A_526 = arith.index_cast %parallel_loop3A_34 : i32 to index
      %parallel_loop3A_527 = tpu.vector_load %arg7[%parallel_loop3A_525, %parallel_loop3A_526] {strides = array<i32>} : memref<16x128xi32, #tpu.memory_space<vmem>>, vector<16xi32>,
      %parallel_loop3A_528 = arith.cmpi ne, %parallel_loop3A_458, %parallel_loop3A_527 : vector<16xi32>
      %parallel_loop3A_529 = arith.constant 7 : i32
      %parallel_loop3A_530 = arith.index_cast %parallel_loop3A_529 : i32 to index
      %parallel_loop3A_531 = arith.index_cast %parallel_loop3A_34 : i32 to index
      %parallel_loop3A_532 = tpu.vector_load %arg6[%parallel_loop3A_530, %parallel_loop3A_531] {strides = array<i32>} : memref<128x128xf32, #tpu.memory_space<vmem>>, vector<16xf32>,
      %parallel_loop3A_533 = arith.constant 23 : i32
      %parallel_loop3A_534 = arith.index_cast %parallel_loop3A_533 : i32 to index
      %parallel_loop3A_535 = arith.index_cast %parallel_loop3A_34 : i32 to index
      %parallel_loop3A_536 = tpu.vector_load %arg6[%parallel_loop3A_534, %parallel_loop3A_535] {strides = array<i32>} : memref<128x128xf32, #tpu.memory_space<vmem>>, vector<16xf32>,
      %parallel_loop3A_537 = arith.constant 39 : i32
      %parallel_loop3A_538 = arith.index_cast %parallel_loop3A_537 : i32 to index
      %parallel_loop3A_539 = arith.index_cast %parallel_loop3A_34 : i32 to index
      %parallel_loop3A_540 = tpu.vector_load %arg6[%parallel_loop3A_538, %parallel_loop3A_539] {strides = array<i32>} : memref<128x128xf32, #tpu.memory_space<vmem>>, vector<16xf32>,
      %parallel_loop3A_541 = arith.constant 55 : i32
      %parallel_loop3A_542 = arith.index_cast %parallel_loop3A_541 : i32 to index
      %parallel_loop3A_543 = arith.index_cast %parallel_loop3A_34 : i32 to index
      %parallel_loop3A_544 = tpu.vector_load %arg6[%parallel_loop3A_542, %parallel_loop3A_543] {strides = array<i32>} : memref<128x128xf32, #tpu.memory_space<vmem>>, vector<16xf32>,
      %parallel_loop3A_545 = arith.constant 71 : i32
      %parallel_loop3A_546 = arith.index_cast %parallel_loop3A_545 : i32 to index
      %parallel_loop3A_547 = arith.index_cast %parallel_loop3A_34 : i32 to index
      %parallel_loop3A_548 = tpu.vector_load %arg6[%parallel_loop3A_546, %parallel_loop3A_547] {strides = array<i32>} : memref<128x128xf32, #tpu.memory_space<vmem>>, vector<16xf32>,
      %parallel_loop3A_549 = arith.constant 87 : i32
      %parallel_loop3A_550 = arith.index_cast %parallel_loop3A_549 : i32 to index
      %parallel_loop3A_551 = arith.index_cast %parallel_loop3A_34 : i32 to index
      %parallel_loop3A_552 = tpu.vector_load %arg6[%parallel_loop3A_550, %parallel_loop3A_551] {strides = array<i32>} : memref<128x128xf32, #tpu.memory_space<vmem>>, vector<16xf32>,
      %parallel_loop3A_553 = arith.constant 103 : i32
      %parallel_loop3A_554 = arith.index_cast %parallel_loop3A_553 : i32 to index
      %parallel_loop3A_555 = arith.index_cast %parallel_loop3A_34 : i32 to index
      %parallel_loop3A_556 = tpu.vector_load %arg6[%parallel_loop3A_554, %parallel_loop3A_555] {strides = array<i32>} : memref<128x128xf32, #tpu.memory_space<vmem>>, vector<16xf32>,
      %parallel_loop3A_557 = arith.constant 119 : i32
      %parallel_loop3A_558 = arith.index_cast %parallel_loop3A_557 : i32 to index
      %parallel_loop3A_559 = arith.index_cast %parallel_loop3A_34 : i32 to index
      %parallel_loop3A_560 = tpu.vector_load %arg6[%parallel_loop3A_558, %parallel_loop3A_559] {strides = array<i32>} : memref<128x128xf32, #tpu.memory_space<vmem>>, vector<16xf32>,
      %parallel_loop3A_561 = arith.constant 0 : i32
      %parallel_loop3A_562 = vector.broadcast %parallel_loop3A_561 : i32 to vector<16xi32>
      %parallel_loop3A_563 = arith.addi %parallel_loop3A_458, %parallel_loop3A_562 : vector<16xi32>
      %parallel_loop3A_564 = arith.constant 384 : i32
      %parallel_loop3A_565 = vector.broadcast %parallel_loop3A_564 : i32 to vector<16xi32>
      %parallel_loop3A_566 = arith.addi %parallel_loop3A_458, %parallel_loop3A_565 : vector<16xi32>
      %parallel_loop3A_567 = arith.constant 768 : i32
      %parallel_loop3A_568 = vector.broadcast %parallel_loop3A_567 : i32 to vector<16xi32>
      %parallel_loop3A_569 = arith.addi %parallel_loop3A_458, %parallel_loop3A_568 : vector<16xi32>
      %parallel_loop3A_570 = arith.constant 1152 : i32
      %parallel_loop3A_571 = vector.broadcast %parallel_loop3A_570 : i32 to vector<16xi32>
      %parallel_loop3A_572 = arith.addi %parallel_loop3A_458, %parallel_loop3A_571 : vector<16xi32>
      %parallel_loop3A_573 = arith.constant 1536 : i32
      %parallel_loop3A_574 = vector.broadcast %parallel_loop3A_573 : i32 to vector<16xi32>
      %parallel_loop3A_575 = arith.addi %parallel_loop3A_458, %parallel_loop3A_574 : vector<16xi32>
      %parallel_loop3A_576 = arith.constant 1920 : i32
      %parallel_loop3A_577 = vector.broadcast %parallel_loop3A_576 : i32 to vector<16xi32>
      %parallel_loop3A_578 = arith.addi %parallel_loop3A_458, %parallel_loop3A_577 : vector<16xi32>
      %parallel_loop3A_579 = arith.constant 2304 : i32
      %parallel_loop3A_580 = vector.broadcast %parallel_loop3A_579 : i32 to vector<16xi32>
      %parallel_loop3A_581 = arith.addi %parallel_loop3A_458, %parallel_loop3A_580 : vector<16xi32>
      %parallel_loop3A_582 = arith.constant 2688 : i32
      %parallel_loop3A_583 = vector.broadcast %parallel_loop3A_582 : i32 to vector<16xi32>
      %parallel_loop3A_584 = arith.addi %parallel_loop3A_458, %parallel_loop3A_583 : vector<16xi32>
      %parallel_loop3A_585 = arith.mulf %parallel_loop3A_532, %parallel_loop3A_36 : vector<16xf32>
      %parallel_loop3A_586 = arith.mulf %parallel_loop3A_536, %parallel_loop3A_36 : vector<16xf32>
      %parallel_loop3A_587 = arith.mulf %parallel_loop3A_540, %parallel_loop3A_36 : vector<16xf32>
      %parallel_loop3A_588 = arith.mulf %parallel_loop3A_544, %parallel_loop3A_36 : vector<16xf32>
      %parallel_loop3A_589 = arith.mulf %parallel_loop3A_548, %parallel_loop3A_36 : vector<16xf32>
      %parallel_loop3A_590 = arith.mulf %parallel_loop3A_552, %parallel_loop3A_36 : vector<16xf32>
      %parallel_loop3A_591 = arith.mulf %parallel_loop3A_556, %parallel_loop3A_36 : vector<16xf32>
      %parallel_loop3A_592 = arith.mulf %parallel_loop3A_560, %parallel_loop3A_36 : vector<16xf32>
      tpu.vector_store_idx %arg9[%parallel_loop3A_563], %parallel_loop3A_585 masked %parallel_loop3A_528 {add = true} : memref<3072xf32, #tpu.memory_space<vmem>>[vector<16xi32>], vector<16xf32>, vector<16xi1>
      tpu.vector_store_idx %arg9[%parallel_loop3A_566], %parallel_loop3A_586 masked %parallel_loop3A_528 {add = true} : memref<3072xf32, #tpu.memory_space<vmem>>[vector<16xi32>], vector<16xf32>, vector<16xi1>
      tpu.vector_store_idx %arg9[%parallel_loop3A_569], %parallel_loop3A_587 masked %parallel_loop3A_528 {add = true} : memref<3072xf32, #tpu.memory_space<vmem>>[vector<16xi32>], vector<16xf32>, vector<16xi1>
      tpu.vector_store_idx %arg9[%parallel_loop3A_572], %parallel_loop3A_588 masked %parallel_loop3A_528 {add = true} : memref<3072xf32, #tpu.memory_space<vmem>>[vector<16xi32>], vector<16xf32>, vector<16xi1>
      tpu.vector_store_idx %arg9[%parallel_loop3A_575], %parallel_loop3A_589 masked %parallel_loop3A_528 {add = true} : memref<3072xf32, #tpu.memory_space<vmem>>[vector<16xi32>], vector<16xf32>, vector<16xi1>
      tpu.vector_store_idx %arg9[%parallel_loop3A_578], %parallel_loop3A_590 masked %parallel_loop3A_528 {add = true} : memref<3072xf32, #tpu.memory_space<vmem>>[vector<16xi32>], vector<16xf32>, vector<16xi1>
      tpu.vector_store_idx %arg9[%parallel_loop3A_581], %parallel_loop3A_591 masked %parallel_loop3A_528 {add = true} : memref<3072xf32, #tpu.memory_space<vmem>>[vector<16xi32>], vector<16xf32>, vector<16xi1>
      tpu.vector_store_idx %arg9[%parallel_loop3A_584], %parallel_loop3A_592 masked %parallel_loop3A_528 {add = true} : memref<3072xf32, #tpu.memory_space<vmem>>[vector<16xi32>], vector<16xf32>, vector<16xi1>
      %parallel_loop3A_593 = arith.constant 9 : i32
      %parallel_loop3A_594 = arith.index_cast %parallel_loop3A_593 : i32 to index
      %parallel_loop3A_595 = arith.index_cast %parallel_loop3A_34 : i32 to index
      %parallel_loop3A_596 = tpu.vector_load %arg7[%parallel_loop3A_594, %parallel_loop3A_595] {strides = array<i32>} : memref<16x128xi32, #tpu.memory_space<vmem>>, vector<16xi32>,
      %parallel_loop3A_597 = arith.cmpi ne, %parallel_loop3A_527, %parallel_loop3A_596 : vector<16xi32>
      %parallel_loop3A_598 = arith.constant 8 : i32
      %parallel_loop3A_599 = arith.index_cast %parallel_loop3A_598 : i32 to index
      %parallel_loop3A_600 = arith.index_cast %parallel_loop3A_34 : i32 to index
      %parallel_loop3A_601 = tpu.vector_load %arg6[%parallel_loop3A_599, %parallel_loop3A_600] {strides = array<i32>} : memref<128x128xf32, #tpu.memory_space<vmem>>, vector<16xf32>,
      %parallel_loop3A_602 = arith.constant 24 : i32
      %parallel_loop3A_603 = arith.index_cast %parallel_loop3A_602 : i32 to index
      %parallel_loop3A_604 = arith.index_cast %parallel_loop3A_34 : i32 to index
      %parallel_loop3A_605 = tpu.vector_load %arg6[%parallel_loop3A_603, %parallel_loop3A_604] {strides = array<i32>} : memref<128x128xf32, #tpu.memory_space<vmem>>, vector<16xf32>,
      %parallel_loop3A_606 = arith.constant 40 : i32
      %parallel_loop3A_607 = arith.index_cast %parallel_loop3A_606 : i32 to index
      %parallel_loop3A_608 = arith.index_cast %parallel_loop3A_34 : i32 to index
      %parallel_loop3A_609 = tpu.vector_load %arg6[%parallel_loop3A_607, %parallel_loop3A_608] {strides = array<i32>} : memref<128x128xf32, #tpu.memory_space<vmem>>, vector<16xf32>,
      %parallel_loop3A_610 = arith.constant 56 : i32
      %parallel_loop3A_611 = arith.index_cast %parallel_loop3A_610 : i32 to index
      %parallel_loop3A_612 = arith.index_cast %parallel_loop3A_34 : i32 to index
      %parallel_loop3A_613 = tpu.vector_load %arg6[%parallel_loop3A_611, %parallel_loop3A_612] {strides = array<i32>} : memref<128x128xf32, #tpu.memory_space<vmem>>, vector<16xf32>,
      %parallel_loop3A_614 = arith.constant 72 : i32
      %parallel_loop3A_615 = arith.index_cast %parallel_loop3A_614 : i32 to index
      %parallel_loop3A_616 = arith.index_cast %parallel_loop3A_34 : i32 to index
      %parallel_loop3A_617 = tpu.vector_load %arg6[%parallel_loop3A_615, %parallel_loop3A_616] {strides = array<i32>} : memref<128x128xf32, #tpu.memory_space<vmem>>, vector<16xf32>,
      %parallel_loop3A_618 = arith.constant 88 : i32
      %parallel_loop3A_619 = arith.index_cast %parallel_loop3A_618 : i32 to index
      %parallel_loop3A_620 = arith.index_cast %parallel_loop3A_34 : i32 to index
      %parallel_loop3A_621 = tpu.vector_load %arg6[%parallel_loop3A_619, %parallel_loop3A_620] {strides = array<i32>} : memref<128x128xf32, #tpu.memory_space<vmem>>, vector<16xf32>,
      %parallel_loop3A_622 = arith.constant 104 : i32
      %parallel_loop3A_623 = arith.index_cast %parallel_loop3A_622 : i32 to index
      %parallel_loop3A_624 = arith.index_cast %parallel_loop3A_34 : i32 to index
      %parallel_loop3A_625 = tpu.vector_load %arg6[%parallel_loop3A_623, %parallel_loop3A_624] {strides = array<i32>} : memref<128x128xf32, #tpu.memory_space<vmem>>, vector<16xf32>,
      %parallel_loop3A_626 = arith.constant 120 : i32
      %parallel_loop3A_627 = arith.index_cast %parallel_loop3A_626 : i32 to index
      %parallel_loop3A_628 = arith.index_cast %parallel_loop3A_34 : i32 to index
      %parallel_loop3A_629 = tpu.vector_load %arg6[%parallel_loop3A_627, %parallel_loop3A_628] {strides = array<i32>} : memref<128x128xf32, #tpu.memory_space<vmem>>, vector<16xf32>,
      %parallel_loop3A_630 = arith.constant 0 : i32
      %parallel_loop3A_631 = vector.broadcast %parallel_loop3A_630 : i32 to vector<16xi32>
      %parallel_loop3A_632 = arith.addi %parallel_loop3A_527, %parallel_loop3A_631 : vector<16xi32>
      %parallel_loop3A_633 = arith.constant 384 : i32
      %parallel_loop3A_634 = vector.broadcast %parallel_loop3A_633 : i32 to vector<16xi32>
      %parallel_loop3A_635 = arith.addi %parallel_loop3A_527, %parallel_loop3A_634 : vector<16xi32>
      %parallel_loop3A_636 = arith.constant 768 : i32
      %parallel_loop3A_637 = vector.broadcast %parallel_loop3A_636 : i32 to vector<16xi32>
      %parallel_loop3A_638 = arith.addi %parallel_loop3A_527, %parallel_loop3A_637 : vector<16xi32>
      %parallel_loop3A_639 = arith.constant 1152 : i32
      %parallel_loop3A_640 = vector.broadcast %parallel_loop3A_639 : i32 to vector<16xi32>
      %parallel_loop3A_641 = arith.addi %parallel_loop3A_527, %parallel_loop3A_640 : vector<16xi32>
      %parallel_loop3A_642 = arith.constant 1536 : i32
      %parallel_loop3A_643 = vector.broadcast %parallel_loop3A_642 : i32 to vector<16xi32>
      %parallel_loop3A_644 = arith.addi %parallel_loop3A_527, %parallel_loop3A_643 : vector<16xi32>
      %parallel_loop3A_645 = arith.constant 1920 : i32
      %parallel_loop3A_646 = vector.broadcast %parallel_loop3A_645 : i32 to vector<16xi32>
      %parallel_loop3A_647 = arith.addi %parallel_loop3A_527, %parallel_loop3A_646 : vector<16xi32>
      %parallel_loop3A_648 = arith.constant 2304 : i32
      %parallel_loop3A_649 = vector.broadcast %parallel_loop3A_648 : i32 to vector<16xi32>
      %parallel_loop3A_650 = arith.addi %parallel_loop3A_527, %parallel_loop3A_649 : vector<16xi32>
      %parallel_loop3A_651 = arith.constant 2688 : i32
      %parallel_loop3A_652 = vector.broadcast %parallel_loop3A_651 : i32 to vector<16xi32>
      %parallel_loop3A_653 = arith.addi %parallel_loop3A_527, %parallel_loop3A_652 : vector<16xi32>
      %parallel_loop3A_654 = arith.mulf %parallel_loop3A_601, %parallel_loop3A_36 : vector<16xf32>
      %parallel_loop3A_655 = arith.mulf %parallel_loop3A_605, %parallel_loop3A_36 : vector<16xf32>
      %parallel_loop3A_656 = arith.mulf %parallel_loop3A_609, %parallel_loop3A_36 : vector<16xf32>
      %parallel_loop3A_657 = arith.mulf %parallel_loop3A_613, %parallel_loop3A_36 : vector<16xf32>
      %parallel_loop3A_658 = arith.mulf %parallel_loop3A_617, %parallel_loop3A_36 : vector<16xf32>
      %parallel_loop3A_659 = arith.mulf %parallel_loop3A_621, %parallel_loop3A_36 : vector<16xf32>
      %parallel_loop3A_660 = arith.mulf %parallel_loop3A_625, %parallel_loop3A_36 : vector<16xf32>
      %parallel_loop3A_661 = arith.mulf %parallel_loop3A_629, %parallel_loop3A_36 : vector<16xf32>
      tpu.vector_store_idx %arg9[%parallel_loop3A_632], %parallel_loop3A_654 masked %parallel_loop3A_597 {add = true} : memref<3072xf32, #tpu.memory_space<vmem>>[vector<16xi32>], vector<16xf32>, vector<16xi1>
      tpu.vector_store_idx %arg9[%parallel_loop3A_635], %parallel_loop3A_655 masked %parallel_loop3A_597 {add = true} : memref<3072xf32, #tpu.memory_space<vmem>>[vector<16xi32>], vector<16xf32>, vector<16xi1>
      tpu.vector_store_idx %arg9[%parallel_loop3A_638], %parallel_loop3A_656 masked %parallel_loop3A_597 {add = true} : memref<3072xf32, #tpu.memory_space<vmem>>[vector<16xi32>], vector<16xf32>, vector<16xi1>
      tpu.vector_store_idx %arg9[%parallel_loop3A_641], %parallel_loop3A_657 masked %parallel_loop3A_597 {add = true} : memref<3072xf32, #tpu.memory_space<vmem>>[vector<16xi32>], vector<16xf32>, vector<16xi1>
      tpu.vector_store_idx %arg9[%parallel_loop3A_644], %parallel_loop3A_658 masked %parallel_loop3A_597 {add = true} : memref<3072xf32, #tpu.memory_space<vmem>>[vector<16xi32>], vector<16xf32>, vector<16xi1>
      tpu.vector_store_idx %arg9[%parallel_loop3A_647], %parallel_loop3A_659 masked %parallel_loop3A_597 {add = true} : memref<3072xf32, #tpu.memory_space<vmem>>[vector<16xi32>], vector<16xf32>, vector<16xi1>
      tpu.vector_store_idx %arg9[%parallel_loop3A_650], %parallel_loop3A_660 masked %parallel_loop3A_597 {add = true} : memref<3072xf32, #tpu.memory_space<vmem>>[vector<16xi32>], vector<16xf32>, vector<16xi1>
      tpu.vector_store_idx %arg9[%parallel_loop3A_653], %parallel_loop3A_661 masked %parallel_loop3A_597 {add = true} : memref<3072xf32, #tpu.memory_space<vmem>>[vector<16xi32>], vector<16xf32>, vector<16xi1>
      %parallel_loop3A_662 = arith.constant 10 : i32
      %parallel_loop3A_663 = arith.index_cast %parallel_loop3A_662 : i32 to index
      %parallel_loop3A_664 = arith.index_cast %parallel_loop3A_34 : i32 to index
      %parallel_loop3A_665 = tpu.vector_load %arg7[%parallel_loop3A_663, %parallel_loop3A_664] {strides = array<i32>} : memref<16x128xi32, #tpu.memory_space<vmem>>, vector<16xi32>,
      %parallel_loop3A_666 = arith.cmpi ne, %parallel_loop3A_596, %parallel_loop3A_665 : vector<16xi32>
      %parallel_loop3A_667 = arith.constant 9 : i32
      %parallel_loop3A_668 = arith.index_cast %parallel_loop3A_667 : i32 to index
      %parallel_loop3A_669 = arith.index_cast %parallel_loop3A_34 : i32 to index
      %parallel_loop3A_670 = tpu.vector_load %arg6[%parallel_loop3A_668, %parallel_loop3A_669] {strides = array<i32>} : memref<128x128xf32, #tpu.memory_space<vmem>>, vector<16xf32>,
      %parallel_loop3A_671 = arith.constant 25 : i32
      %parallel_loop3A_672 = arith.index_cast %parallel_loop3A_671 : i32 to index
      %parallel_loop3A_673 = arith.index_cast %parallel_loop3A_34 : i32 to index
      %parallel_loop3A_674 = tpu.vector_load %arg6[%parallel_loop3A_672, %parallel_loop3A_673] {strides = array<i32>} : memref<128x128xf32, #tpu.memory_space<vmem>>, vector<16xf32>,
      %parallel_loop3A_675 = arith.constant 41 : i32
      %parallel_loop3A_676 = arith.index_cast %parallel_loop3A_675 : i32 to index
      %parallel_loop3A_677 = arith.index_cast %parallel_loop3A_34 : i32 to index
      %parallel_loop3A_678 = tpu.vector_load %arg6[%parallel_loop3A_676, %parallel_loop3A_677] {strides = array<i32>} : memref<128x128xf32, #tpu.memory_space<vmem>>, vector<16xf32>,
      %parallel_loop3A_679 = arith.constant 57 : i32
      %parallel_loop3A_680 = arith.index_cast %parallel_loop3A_679 : i32 to index
      %parallel_loop3A_681 = arith.index_cast %parallel_loop3A_34 : i32 to index
      %parallel_loop3A_682 = tpu.vector_load %arg6[%parallel_loop3A_680, %parallel_loop3A_681] {strides = array<i32>} : memref<128x128xf32, #tpu.memory_space<vmem>>, vector<16xf32>,
      %parallel_loop3A_683 = arith.constant 73 : i32
      %parallel_loop3A_684 = arith.index_cast %parallel_loop3A_683 : i32 to index
      %parallel_loop3A_685 = arith.index_cast %parallel_loop3A_34 : i32 to index
      %parallel_loop3A_686 = tpu.vector_load %arg6[%parallel_loop3A_684, %parallel_loop3A_685] {strides = array<i32>} : memref<128x128xf32, #tpu.memory_space<vmem>>, vector<16xf32>,
      %parallel_loop3A_687 = arith.constant 89 : i32
      %parallel_loop3A_688 = arith.index_cast %parallel_loop3A_687 : i32 to index
      %parallel_loop3A_689 = arith.index_cast %parallel_loop3A_34 : i32 to index
      %parallel_loop3A_690 = tpu.vector_load %arg6[%parallel_loop3A_688, %parallel_loop3A_689] {strides = array<i32>} : memref<128x128xf32, #tpu.memory_space<vmem>>, vector<16xf32>,
      %parallel_loop3A_691 = arith.constant 105 : i32
      %parallel_loop3A_692 = arith.index_cast %parallel_loop3A_691 : i32 to index
      %parallel_loop3A_693 = arith.index_cast %parallel_loop3A_34 : i32 to index
      %parallel_loop3A_694 = tpu.vector_load %arg6[%parallel_loop3A_692, %parallel_loop3A_693] {strides = array<i32>} : memref<128x128xf32, #tpu.memory_space<vmem>>, vector<16xf32>,
      %parallel_loop3A_695 = arith.constant 121 : i32
      %parallel_loop3A_696 = arith.index_cast %parallel_loop3A_695 : i32 to index
      %parallel_loop3A_697 = arith.index_cast %parallel_loop3A_34 : i32 to index
      %parallel_loop3A_698 = tpu.vector_load %arg6[%parallel_loop3A_696, %parallel_loop3A_697] {strides = array<i32>} : memref<128x128xf32, #tpu.memory_space<vmem>>, vector<16xf32>,
      %parallel_loop3A_699 = arith.constant 0 : i32
      %parallel_loop3A_700 = vector.broadcast %parallel_loop3A_699 : i32 to vector<16xi32>
      %parallel_loop3A_701 = arith.addi %parallel_loop3A_596, %parallel_loop3A_700 : vector<16xi32>
      %parallel_loop3A_702 = arith.constant 384 : i32
      %parallel_loop3A_703 = vector.broadcast %parallel_loop3A_702 : i32 to vector<16xi32>
      %parallel_loop3A_704 = arith.addi %parallel_loop3A_596, %parallel_loop3A_703 : vector<16xi32>
      %parallel_loop3A_705 = arith.constant 768 : i32
      %parallel_loop3A_706 = vector.broadcast %parallel_loop3A_705 : i32 to vector<16xi32>
      %parallel_loop3A_707 = arith.addi %parallel_loop3A_596, %parallel_loop3A_706 : vector<16xi32>
      %parallel_loop3A_708 = arith.constant 1152 : i32
      %parallel_loop3A_709 = vector.broadcast %parallel_loop3A_708 : i32 to vector<16xi32>
      %parallel_loop3A_710 = arith.addi %parallel_loop3A_596, %parallel_loop3A_709 : vector<16xi32>
      %parallel_loop3A_711 = arith.constant 1536 : i32
      %parallel_loop3A_712 = vector.broadcast %parallel_loop3A_711 : i32 to vector<16xi32>
      %parallel_loop3A_713 = arith.addi %parallel_loop3A_596, %parallel_loop3A_712 : vector<16xi32>
      %parallel_loop3A_714 = arith.constant 1920 : i32
      %parallel_loop3A_715 = vector.broadcast %parallel_loop3A_714 : i32 to vector<16xi32>
      %parallel_loop3A_716 = arith.addi %parallel_loop3A_596, %parallel_loop3A_715 : vector<16xi32>
      %parallel_loop3A_717 = arith.constant 2304 : i32
      %parallel_loop3A_718 = vector.broadcast %parallel_loop3A_717 : i32 to vector<16xi32>
      %parallel_loop3A_719 = arith.addi %parallel_loop3A_596, %parallel_loop3A_718 : vector<16xi32>
      %parallel_loop3A_720 = arith.constant 2688 : i32
      %parallel_loop3A_721 = vector.broadcast %parallel_loop3A_720 : i32 to vector<16xi32>
      %parallel_loop3A_722 = arith.addi %parallel_loop3A_596, %parallel_loop3A_721 : vector<16xi32>
      %parallel_loop3A_723 = arith.mulf %parallel_loop3A_670, %parallel_loop3A_36 : vector<16xf32>
      %parallel_loop3A_724 = arith.mulf %parallel_loop3A_674, %parallel_loop3A_36 : vector<16xf32>
      %parallel_loop3A_725 = arith.mulf %parallel_loop3A_678, %parallel_loop3A_36 : vector<16xf32>
      %parallel_loop3A_726 = arith.mulf %parallel_loop3A_682, %parallel_loop3A_36 : vector<16xf32>
      %parallel_loop3A_727 = arith.mulf %parallel_loop3A_686, %parallel_loop3A_36 : vector<16xf32>
      %parallel_loop3A_728 = arith.mulf %parallel_loop3A_690, %parallel_loop3A_36 : vector<16xf32>
      %parallel_loop3A_729 = arith.mulf %parallel_loop3A_694, %parallel_loop3A_36 : vector<16xf32>
      %parallel_loop3A_730 = arith.mulf %parallel_loop3A_698, %parallel_loop3A_36 : vector<16xf32>
      tpu.vector_store_idx %arg9[%parallel_loop3A_701], %parallel_loop3A_723 masked %parallel_loop3A_666 {add = true} : memref<3072xf32, #tpu.memory_space<vmem>>[vector<16xi32>], vector<16xf32>, vector<16xi1>
      tpu.vector_store_idx %arg9[%parallel_loop3A_704], %parallel_loop3A_724 masked %parallel_loop3A_666 {add = true} : memref<3072xf32, #tpu.memory_space<vmem>>[vector<16xi32>], vector<16xf32>, vector<16xi1>
      tpu.vector_store_idx %arg9[%parallel_loop3A_707], %parallel_loop3A_725 masked %parallel_loop3A_666 {add = true} : memref<3072xf32, #tpu.memory_space<vmem>>[vector<16xi32>], vector<16xf32>, vector<16xi1>
      tpu.vector_store_idx %arg9[%parallel_loop3A_710], %parallel_loop3A_726 masked %parallel_loop3A_666 {add = true} : memref<3072xf32, #tpu.memory_space<vmem>>[vector<16xi32>], vector<16xf32>, vector<16xi1>
      tpu.vector_store_idx %arg9[%parallel_loop3A_713], %parallel_loop3A_727 masked %parallel_loop3A_666 {add = true} : memref<3072xf32, #tpu.memory_space<vmem>>[vector<16xi32>], vector<16xf32>, vector<16xi1>
      tpu.vector_store_idx %arg9[%parallel_loop3A_716], %parallel_loop3A_728 masked %parallel_loop3A_666 {add = true} : memref<3072xf32, #tpu.memory_space<vmem>>[vector<16xi32>], vector<16xf32>, vector<16xi1>
      tpu.vector_store_idx %arg9[%parallel_loop3A_719], %parallel_loop3A_729 masked %parallel_loop3A_666 {add = true} : memref<3072xf32, #tpu.memory_space<vmem>>[vector<16xi32>], vector<16xf32>, vector<16xi1>
      tpu.vector_store_idx %arg9[%parallel_loop3A_722], %parallel_loop3A_730 masked %parallel_loop3A_666 {add = true} : memref<3072xf32, #tpu.memory_space<vmem>>[vector<16xi32>], vector<16xf32>, vector<16xi1>
      %parallel_loop3A_731 = arith.constant 11 : i32
      %parallel_loop3A_732 = arith.index_cast %parallel_loop3A_731 : i32 to index
      %parallel_loop3A_733 = arith.index_cast %parallel_loop3A_34 : i32 to index
      %parallel_loop3A_734 = tpu.vector_load %arg7[%parallel_loop3A_732, %parallel_loop3A_733] {strides = array<i32>} : memref<16x128xi32, #tpu.memory_space<vmem>>, vector<16xi32>,
      %parallel_loop3A_735 = arith.cmpi ne, %parallel_loop3A_665, %parallel_loop3A_734 : vector<16xi32>
      %parallel_loop3A_736 = arith.constant 10 : i32
      %parallel_loop3A_737 = arith.index_cast %parallel_loop3A_736 : i32 to index
      %parallel_loop3A_738 = arith.index_cast %parallel_loop3A_34 : i32 to index
      %parallel_loop3A_739 = tpu.vector_load %arg6[%parallel_loop3A_737, %parallel_loop3A_738] {strides = array<i32>} : memref<128x128xf32, #tpu.memory_space<vmem>>, vector<16xf32>,
      %parallel_loop3A_740 = arith.constant 26 : i32
      %parallel_loop3A_741 = arith.index_cast %parallel_loop3A_740 : i32 to index
      %parallel_loop3A_742 = arith.index_cast %parallel_loop3A_34 : i32 to index
      %parallel_loop3A_743 = tpu.vector_load %arg6[%parallel_loop3A_741, %parallel_loop3A_742] {strides = array<i32>} : memref<128x128xf32, #tpu.memory_space<vmem>>, vector<16xf32>,
      %parallel_loop3A_744 = arith.constant 42 : i32
      %parallel_loop3A_745 = arith.index_cast %parallel_loop3A_744 : i32 to index
      %parallel_loop3A_746 = arith.index_cast %parallel_loop3A_34 : i32 to index
      %parallel_loop3A_747 = tpu.vector_load %arg6[%parallel_loop3A_745, %parallel_loop3A_746] {strides = array<i32>} : memref<128x128xf32, #tpu.memory_space<vmem>>, vector<16xf32>,
      %parallel_loop3A_748 = arith.constant 58 : i32
      %parallel_loop3A_749 = arith.index_cast %parallel_loop3A_748 : i32 to index
      %parallel_loop3A_750 = arith.index_cast %parallel_loop3A_34 : i32 to index
      %parallel_loop3A_751 = tpu.vector_load %arg6[%parallel_loop3A_749, %parallel_loop3A_750] {strides = array<i32>} : memref<128x128xf32, #tpu.memory_space<vmem>>, vector<16xf32>,
      %parallel_loop3A_752 = arith.constant 74 : i32
      %parallel_loop3A_753 = arith.index_cast %parallel_loop3A_752 : i32 to index
      %parallel_loop3A_754 = arith.index_cast %parallel_loop3A_34 : i32 to index
      %parallel_loop3A_755 = tpu.vector_load %arg6[%parallel_loop3A_753, %parallel_loop3A_754] {strides = array<i32>} : memref<128x128xf32, #tpu.memory_space<vmem>>, vector<16xf32>,
      %parallel_loop3A_756 = arith.constant 90 : i32
      %parallel_loop3A_757 = arith.index_cast %parallel_loop3A_756 : i32 to index
      %parallel_loop3A_758 = arith.index_cast %parallel_loop3A_34 : i32 to index
      %parallel_loop3A_759 = tpu.vector_load %arg6[%parallel_loop3A_757, %parallel_loop3A_758] {strides = array<i32>} : memref<128x128xf32, #tpu.memory_space<vmem>>, vector<16xf32>,
      %parallel_loop3A_760 = arith.constant 106 : i32
      %parallel_loop3A_761 = arith.index_cast %parallel_loop3A_760 : i32 to index
      %parallel_loop3A_762 = arith.index_cast %parallel_loop3A_34 : i32 to index
      %parallel_loop3A_763 = tpu.vector_load %arg6[%parallel_loop3A_761, %parallel_loop3A_762] {strides = array<i32>} : memref<128x128xf32, #tpu.memory_space<vmem>>, vector<16xf32>,
      %parallel_loop3A_764 = arith.constant 122 : i32
      %parallel_loop3A_765 = arith.index_cast %parallel_loop3A_764 : i32 to index
      %parallel_loop3A_766 = arith.index_cast %parallel_loop3A_34 : i32 to index
      %parallel_loop3A_767 = tpu.vector_load %arg6[%parallel_loop3A_765, %parallel_loop3A_766] {strides = array<i32>} : memref<128x128xf32, #tpu.memory_space<vmem>>, vector<16xf32>,
      %parallel_loop3A_768 = arith.constant 0 : i32
      %parallel_loop3A_769 = vector.broadcast %parallel_loop3A_768 : i32 to vector<16xi32>
      %parallel_loop3A_770 = arith.addi %parallel_loop3A_665, %parallel_loop3A_769 : vector<16xi32>
      %parallel_loop3A_771 = arith.constant 384 : i32
      %parallel_loop3A_772 = vector.broadcast %parallel_loop3A_771 : i32 to vector<16xi32>
      %parallel_loop3A_773 = arith.addi %parallel_loop3A_665, %parallel_loop3A_772 : vector<16xi32>
      %parallel_loop3A_774 = arith.constant 768 : i32
      %parallel_loop3A_775 = vector.broadcast %parallel_loop3A_774 : i32 to vector<16xi32>
      %parallel_loop3A_776 = arith.addi %parallel_loop3A_665, %parallel_loop3A_775 : vector<16xi32>
      %parallel_loop3A_777 = arith.constant 1152 : i32
      %parallel_loop3A_778 = vector.broadcast %parallel_loop3A_777 : i32 to vector<16xi32>
      %parallel_loop3A_779 = arith.addi %parallel_loop3A_665, %parallel_loop3A_778 : vector<16xi32>
      %parallel_loop3A_780 = arith.constant 1536 : i32
      %parallel_loop3A_781 = vector.broadcast %parallel_loop3A_780 : i32 to vector<16xi32>
      %parallel_loop3A_782 = arith.addi %parallel_loop3A_665, %parallel_loop3A_781 : vector<16xi32>
      %parallel_loop3A_783 = arith.constant 1920 : i32
      %parallel_loop3A_784 = vector.broadcast %parallel_loop3A_783 : i32 to vector<16xi32>
      %parallel_loop3A_785 = arith.addi %parallel_loop3A_665, %parallel_loop3A_784 : vector<16xi32>
      %parallel_loop3A_786 = arith.constant 2304 : i32
      %parallel_loop3A_787 = vector.broadcast %parallel_loop3A_786 : i32 to vector<16xi32>
      %parallel_loop3A_788 = arith.addi %parallel_loop3A_665, %parallel_loop3A_787 : vector<16xi32>
      %parallel_loop3A_789 = arith.constant 2688 : i32
      %parallel_loop3A_790 = vector.broadcast %parallel_loop3A_789 : i32 to vector<16xi32>
      %parallel_loop3A_791 = arith.addi %parallel_loop3A_665, %parallel_loop3A_790 : vector<16xi32>
      %parallel_loop3A_792 = arith.mulf %parallel_loop3A_739, %parallel_loop3A_36 : vector<16xf32>
      %parallel_loop3A_793 = arith.mulf %parallel_loop3A_743, %parallel_loop3A_36 : vector<16xf32>
      %parallel_loop3A_794 = arith.mulf %parallel_loop3A_747, %parallel_loop3A_36 : vector<16xf32>
      %parallel_loop3A_795 = arith.mulf %parallel_loop3A_751, %parallel_loop3A_36 : vector<16xf32>
      %parallel_loop3A_796 = arith.mulf %parallel_loop3A_755, %parallel_loop3A_36 : vector<16xf32>
      %parallel_loop3A_797 = arith.mulf %parallel_loop3A_759, %parallel_loop3A_36 : vector<16xf32>
      %parallel_loop3A_798 = arith.mulf %parallel_loop3A_763, %parallel_loop3A_36 : vector<16xf32>
      %parallel_loop3A_799 = arith.mulf %parallel_loop3A_767, %parallel_loop3A_36 : vector<16xf32>
      tpu.vector_store_idx %arg9[%parallel_loop3A_770], %parallel_loop3A_792 masked %parallel_loop3A_735 {add = true} : memref<3072xf32, #tpu.memory_space<vmem>>[vector<16xi32>], vector<16xf32>, vector<16xi1>
      tpu.vector_store_idx %arg9[%parallel_loop3A_773], %parallel_loop3A_793 masked %parallel_loop3A_735 {add = true} : memref<3072xf32, #tpu.memory_space<vmem>>[vector<16xi32>], vector<16xf32>, vector<16xi1>
      tpu.vector_store_idx %arg9[%parallel_loop3A_776], %parallel_loop3A_794 masked %parallel_loop3A_735 {add = true} : memref<3072xf32, #tpu.memory_space<vmem>>[vector<16xi32>], vector<16xf32>, vector<16xi1>
      tpu.vector_store_idx %arg9[%parallel_loop3A_779], %parallel_loop3A_795 masked %parallel_loop3A_735 {add = true} : memref<3072xf32, #tpu.memory_space<vmem>>[vector<16xi32>], vector<16xf32>, vector<16xi1>
      tpu.vector_store_idx %arg9[%parallel_loop3A_782], %parallel_loop3A_796 masked %parallel_loop3A_735 {add = true} : memref<3072xf32, #tpu.memory_space<vmem>>[vector<16xi32>], vector<16xf32>, vector<16xi1>
      tpu.vector_store_idx %arg9[%parallel_loop3A_785], %parallel_loop3A_797 masked %parallel_loop3A_735 {add = true} : memref<3072xf32, #tpu.memory_space<vmem>>[vector<16xi32>], vector<16xf32>, vector<16xi1>
      tpu.vector_store_idx %arg9[%parallel_loop3A_788], %parallel_loop3A_798 masked %parallel_loop3A_735 {add = true} : memref<3072xf32, #tpu.memory_space<vmem>>[vector<16xi32>], vector<16xf32>, vector<16xi1>
      tpu.vector_store_idx %arg9[%parallel_loop3A_791], %parallel_loop3A_799 masked %parallel_loop3A_735 {add = true} : memref<3072xf32, #tpu.memory_space<vmem>>[vector<16xi32>], vector<16xf32>, vector<16xi1>
      %parallel_loop3A_800 = arith.constant 12 : i32
      %parallel_loop3A_801 = arith.index_cast %parallel_loop3A_800 : i32 to index
      %parallel_loop3A_802 = arith.index_cast %parallel_loop3A_34 : i32 to index
      %parallel_loop3A_803 = tpu.vector_load %arg7[%parallel_loop3A_801, %parallel_loop3A_802] {strides = array<i32>} : memref<16x128xi32, #tpu.memory_space<vmem>>, vector<16xi32>,
      %parallel_loop3A_804 = arith.cmpi ne, %parallel_loop3A_734, %parallel_loop3A_803 : vector<16xi32>
      %parallel_loop3A_805 = arith.constant 11 : i32
      %parallel_loop3A_806 = arith.index_cast %parallel_loop3A_805 : i32 to index
      %parallel_loop3A_807 = arith.index_cast %parallel_loop3A_34 : i32 to index
      %parallel_loop3A_808 = tpu.vector_load %arg6[%parallel_loop3A_806, %parallel_loop3A_807] {strides = array<i32>} : memref<128x128xf32, #tpu.memory_space<vmem>>, vector<16xf32>,
      %parallel_loop3A_809 = arith.constant 27 : i32
      %parallel_loop3A_810 = arith.index_cast %parallel_loop3A_809 : i32 to index
      %parallel_loop3A_811 = arith.index_cast %parallel_loop3A_34 : i32 to index
      %parallel_loop3A_812 = tpu.vector_load %arg6[%parallel_loop3A_810, %parallel_loop3A_811] {strides = array<i32>} : memref<128x128xf32, #tpu.memory_space<vmem>>, vector<16xf32>,
      %parallel_loop3A_813 = arith.constant 43 : i32
      %parallel_loop3A_814 = arith.index_cast %parallel_loop3A_813 : i32 to index
      %parallel_loop3A_815 = arith.index_cast %parallel_loop3A_34 : i32 to index
      %parallel_loop3A_816 = tpu.vector_load %arg6[%parallel_loop3A_814, %parallel_loop3A_815] {strides = array<i32>} : memref<128x128xf32, #tpu.memory_space<vmem>>, vector<16xf32>,
      %parallel_loop3A_817 = arith.constant 59 : i32
      %parallel_loop3A_818 = arith.index_cast %parallel_loop3A_817 : i32 to index
      %parallel_loop3A_819 = arith.index_cast %parallel_loop3A_34 : i32 to index
      %parallel_loop3A_820 = tpu.vector_load %arg6[%parallel_loop3A_818, %parallel_loop3A_819] {strides = array<i32>} : memref<128x128xf32, #tpu.memory_space<vmem>>, vector<16xf32>,
      %parallel_loop3A_821 = arith.constant 75 : i32
      %parallel_loop3A_822 = arith.index_cast %parallel_loop3A_821 : i32 to index
      %parallel_loop3A_823 = arith.index_cast %parallel_loop3A_34 : i32 to index
      %parallel_loop3A_824 = tpu.vector_load %arg6[%parallel_loop3A_822, %parallel_loop3A_823] {strides = array<i32>} : memref<128x128xf32, #tpu.memory_space<vmem>>, vector<16xf32>,
      %parallel_loop3A_825 = arith.constant 91 : i32
      %parallel_loop3A_826 = arith.index_cast %parallel_loop3A_825 : i32 to index
      %parallel_loop3A_827 = arith.index_cast %parallel_loop3A_34 : i32 to index
      %parallel_loop3A_828 = tpu.vector_load %arg6[%parallel_loop3A_826, %parallel_loop3A_827] {strides = array<i32>} : memref<128x128xf32, #tpu.memory_space<vmem>>, vector<16xf32>,
      %parallel_loop3A_829 = arith.constant 107 : i32
      %parallel_loop3A_830 = arith.index_cast %parallel_loop3A_829 : i32 to index
      %parallel_loop3A_831 = arith.index_cast %parallel_loop3A_34 : i32 to index
      %parallel_loop3A_832 = tpu.vector_load %arg6[%parallel_loop3A_830, %parallel_loop3A_831] {strides = array<i32>} : memref<128x128xf32, #tpu.memory_space<vmem>>, vector<16xf32>,
      %parallel_loop3A_833 = arith.constant 123 : i32
      %parallel_loop3A_834 = arith.index_cast %parallel_loop3A_833 : i32 to index
      %parallel_loop3A_835 = arith.index_cast %parallel_loop3A_34 : i32 to index
      %parallel_loop3A_836 = tpu.vector_load %arg6[%parallel_loop3A_834, %parallel_loop3A_835] {strides = array<i32>} : memref<128x128xf32, #tpu.memory_space<vmem>>, vector<16xf32>,
      %parallel_loop3A_837 = arith.constant 0 : i32
      %parallel_loop3A_838 = vector.broadcast %parallel_loop3A_837 : i32 to vector<16xi32>
      %parallel_loop3A_839 = arith.addi %parallel_loop3A_734, %parallel_loop3A_838 : vector<16xi32>
      %parallel_loop3A_840 = arith.constant 384 : i32
      %parallel_loop3A_841 = vector.broadcast %parallel_loop3A_840 : i32 to vector<16xi32>
      %parallel_loop3A_842 = arith.addi %parallel_loop3A_734, %parallel_loop3A_841 : vector<16xi32>
      %parallel_loop3A_843 = arith.constant 768 : i32
      %parallel_loop3A_844 = vector.broadcast %parallel_loop3A_843 : i32 to vector<16xi32>
      %parallel_loop3A_845 = arith.addi %parallel_loop3A_734, %parallel_loop3A_844 : vector<16xi32>
      %parallel_loop3A_846 = arith.constant 1152 : i32
      %parallel_loop3A_847 = vector.broadcast %parallel_loop3A_846 : i32 to vector<16xi32>
      %parallel_loop3A_848 = arith.addi %parallel_loop3A_734, %parallel_loop3A_847 : vector<16xi32>
      %parallel_loop3A_849 = arith.constant 1536 : i32
      %parallel_loop3A_850 = vector.broadcast %parallel_loop3A_849 : i32 to vector<16xi32>
      %parallel_loop3A_851 = arith.addi %parallel_loop3A_734, %parallel_loop3A_850 : vector<16xi32>
      %parallel_loop3A_852 = arith.constant 1920 : i32
      %parallel_loop3A_853 = vector.broadcast %parallel_loop3A_852 : i32 to vector<16xi32>
      %parallel_loop3A_854 = arith.addi %parallel_loop3A_734, %parallel_loop3A_853 : vector<16xi32>
      %parallel_loop3A_855 = arith.constant 2304 : i32
      %parallel_loop3A_856 = vector.broadcast %parallel_loop3A_855 : i32 to vector<16xi32>
      %parallel_loop3A_857 = arith.addi %parallel_loop3A_734, %parallel_loop3A_856 : vector<16xi32>
      %parallel_loop3A_858 = arith.constant 2688 : i32
      %parallel_loop3A_859 = vector.broadcast %parallel_loop3A_858 : i32 to vector<16xi32>
      %parallel_loop3A_860 = arith.addi %parallel_loop3A_734, %parallel_loop3A_859 : vector<16xi32>
      %parallel_loop3A_861 = arith.mulf %parallel_loop3A_808, %parallel_loop3A_36 : vector<16xf32>
      %parallel_loop3A_862 = arith.mulf %parallel_loop3A_812, %parallel_loop3A_36 : vector<16xf32>
      %parallel_loop3A_863 = arith.mulf %parallel_loop3A_816, %parallel_loop3A_36 : vector<16xf32>
      %parallel_loop3A_864 = arith.mulf %parallel_loop3A_820, %parallel_loop3A_36 : vector<16xf32>
      %parallel_loop3A_865 = arith.mulf %parallel_loop3A_824, %parallel_loop3A_36 : vector<16xf32>
      %parallel_loop3A_866 = arith.mulf %parallel_loop3A_828, %parallel_loop3A_36 : vector<16xf32>
      %parallel_loop3A_867 = arith.mulf %parallel_loop3A_832, %parallel_loop3A_36 : vector<16xf32>
      %parallel_loop3A_868 = arith.mulf %parallel_loop3A_836, %parallel_loop3A_36 : vector<16xf32>
      tpu.vector_store_idx %arg9[%parallel_loop3A_839], %parallel_loop3A_861 masked %parallel_loop3A_804 {add = true} : memref<3072xf32, #tpu.memory_space<vmem>>[vector<16xi32>], vector<16xf32>, vector<16xi1>
      tpu.vector_store_idx %arg9[%parallel_loop3A_842], %parallel_loop3A_862 masked %parallel_loop3A_804 {add = true} : memref<3072xf32, #tpu.memory_space<vmem>>[vector<16xi32>], vector<16xf32>, vector<16xi1>
      tpu.vector_store_idx %arg9[%parallel_loop3A_845], %parallel_loop3A_863 masked %parallel_loop3A_804 {add = true} : memref<3072xf32, #tpu.memory_space<vmem>>[vector<16xi32>], vector<16xf32>, vector<16xi1>
      tpu.vector_store_idx %arg9[%parallel_loop3A_848], %parallel_loop3A_864 masked %parallel_loop3A_804 {add = true} : memref<3072xf32, #tpu.memory_space<vmem>>[vector<16xi32>], vector<16xf32>, vector<16xi1>
      tpu.vector_store_idx %arg9[%parallel_loop3A_851], %parallel_loop3A_865 masked %parallel_loop3A_804 {add = true} : memref<3072xf32, #tpu.memory_space<vmem>>[vector<16xi32>], vector<16xf32>, vector<16xi1>
      tpu.vector_store_idx %arg9[%parallel_loop3A_854], %parallel_loop3A_866 masked %parallel_loop3A_804 {add = true} : memref<3072xf32, #tpu.memory_space<vmem>>[vector<16xi32>], vector<16xf32>, vector<16xi1>
      tpu.vector_store_idx %arg9[%parallel_loop3A_857], %parallel_loop3A_867 masked %parallel_loop3A_804 {add = true} : memref<3072xf32, #tpu.memory_space<vmem>>[vector<16xi32>], vector<16xf32>, vector<16xi1>
      tpu.vector_store_idx %arg9[%parallel_loop3A_860], %parallel_loop3A_868 masked %parallel_loop3A_804 {add = true} : memref<3072xf32, #tpu.memory_space<vmem>>[vector<16xi32>], vector<16xf32>, vector<16xi1>
      %parallel_loop3A_869 = arith.constant 13 : i32
      %parallel_loop3A_870 = arith.index_cast %parallel_loop3A_869 : i32 to index
      %parallel_loop3A_871 = arith.index_cast %parallel_loop3A_34 : i32 to index
      %parallel_loop3A_872 = tpu.vector_load %arg7[%parallel_loop3A_870, %parallel_loop3A_871] {strides = array<i32>} : memref<16x128xi32, #tpu.memory_space<vmem>>, vector<16xi32>,
      %parallel_loop3A_873 = arith.cmpi ne, %parallel_loop3A_803, %parallel_loop3A_872 : vector<16xi32>
      %parallel_loop3A_874 = arith.constant 12 : i32
      %parallel_loop3A_875 = arith.index_cast %parallel_loop3A_874 : i32 to index
      %parallel_loop3A_876 = arith.index_cast %parallel_loop3A_34 : i32 to index
      %parallel_loop3A_877 = tpu.vector_load %arg6[%parallel_loop3A_875, %parallel_loop3A_876] {strides = array<i32>} : memref<128x128xf32, #tpu.memory_space<vmem>>, vector<16xf32>,
      %parallel_loop3A_878 = arith.constant 28 : i32
      %parallel_loop3A_879 = arith.index_cast %parallel_loop3A_878 : i32 to index
      %parallel_loop3A_880 = arith.index_cast %parallel_loop3A_34 : i32 to index
      %parallel_loop3A_881 = tpu.vector_load %arg6[%parallel_loop3A_879, %parallel_loop3A_880] {strides = array<i32>} : memref<128x128xf32, #tpu.memory_space<vmem>>, vector<16xf32>,
      %parallel_loop3A_882 = arith.constant 44 : i32
      %parallel_loop3A_883 = arith.index_cast %parallel_loop3A_882 : i32 to index
      %parallel_loop3A_884 = arith.index_cast %parallel_loop3A_34 : i32 to index
      %parallel_loop3A_885 = tpu.vector_load %arg6[%parallel_loop3A_883, %parallel_loop3A_884] {strides = array<i32>} : memref<128x128xf32, #tpu.memory_space<vmem>>, vector<16xf32>,
      %parallel_loop3A_886 = arith.constant 60 : i32
      %parallel_loop3A_887 = arith.index_cast %parallel_loop3A_886 : i32 to index
      %parallel_loop3A_888 = arith.index_cast %parallel_loop3A_34 : i32 to index
      %parallel_loop3A_889 = tpu.vector_load %arg6[%parallel_loop3A_887, %parallel_loop3A_888] {strides = array<i32>} : memref<128x128xf32, #tpu.memory_space<vmem>>, vector<16xf32>,
      %parallel_loop3A_890 = arith.constant 76 : i32
      %parallel_loop3A_891 = arith.index_cast %parallel_loop3A_890 : i32 to index
      %parallel_loop3A_892 = arith.index_cast %parallel_loop3A_34 : i32 to index
      %parallel_loop3A_893 = tpu.vector_load %arg6[%parallel_loop3A_891, %parallel_loop3A_892] {strides = array<i32>} : memref<128x128xf32, #tpu.memory_space<vmem>>, vector<16xf32>,
      %parallel_loop3A_894 = arith.constant 92 : i32
      %parallel_loop3A_895 = arith.index_cast %parallel_loop3A_894 : i32 to index
      %parallel_loop3A_896 = arith.index_cast %parallel_loop3A_34 : i32 to index
      %parallel_loop3A_897 = tpu.vector_load %arg6[%parallel_loop3A_895, %parallel_loop3A_896] {strides = array<i32>} : memref<128x128xf32, #tpu.memory_space<vmem>>, vector<16xf32>,
      %parallel_loop3A_898 = arith.constant 108 : i32
      %parallel_loop3A_899 = arith.index_cast %parallel_loop3A_898 : i32 to index
      %parallel_loop3A_900 = arith.index_cast %parallel_loop3A_34 : i32 to index
      %parallel_loop3A_901 = tpu.vector_load %arg6[%parallel_loop3A_899, %parallel_loop3A_900] {strides = array<i32>} : memref<128x128xf32, #tpu.memory_space<vmem>>, vector<16xf32>,
      %parallel_loop3A_902 = arith.constant 124 : i32
      %parallel_loop3A_903 = arith.index_cast %parallel_loop3A_902 : i32 to index
      %parallel_loop3A_904 = arith.index_cast %parallel_loop3A_34 : i32 to index
      %parallel_loop3A_905 = tpu.vector_load %arg6[%parallel_loop3A_903, %parallel_loop3A_904] {strides = array<i32>} : memref<128x128xf32, #tpu.memory_space<vmem>>, vector<16xf32>,
      %parallel_loop3A_906 = arith.constant 0 : i32
      %parallel_loop3A_907 = vector.broadcast %parallel_loop3A_906 : i32 to vector<16xi32>
      %parallel_loop3A_908 = arith.addi %parallel_loop3A_803, %parallel_loop3A_907 : vector<16xi32>
      %parallel_loop3A_909 = arith.constant 384 : i32
      %parallel_loop3A_910 = vector.broadcast %parallel_loop3A_909 : i32 to vector<16xi32>
      %parallel_loop3A_911 = arith.addi %parallel_loop3A_803, %parallel_loop3A_910 : vector<16xi32>
      %parallel_loop3A_912 = arith.constant 768 : i32
      %parallel_loop3A_913 = vector.broadcast %parallel_loop3A_912 : i32 to vector<16xi32>
      %parallel_loop3A_914 = arith.addi %parallel_loop3A_803, %parallel_loop3A_913 : vector<16xi32>
      %parallel_loop3A_915 = arith.constant 1152 : i32
      %parallel_loop3A_916 = vector.broadcast %parallel_loop3A_915 : i32 to vector<16xi32>
      %parallel_loop3A_917 = arith.addi %parallel_loop3A_803, %parallel_loop3A_916 : vector<16xi32>
      %parallel_loop3A_918 = arith.constant 1536 : i32
      %parallel_loop3A_919 = vector.broadcast %parallel_loop3A_918 : i32 to vector<16xi32>
      %parallel_loop3A_920 = arith.addi %parallel_loop3A_803, %parallel_loop3A_919 : vector<16xi32>
      %parallel_loop3A_921 = arith.constant 1920 : i32
      %parallel_loop3A_922 = vector.broadcast %parallel_loop3A_921 : i32 to vector<16xi32>
      %parallel_loop3A_923 = arith.addi %parallel_loop3A_803, %parallel_loop3A_922 : vector<16xi32>
      %parallel_loop3A_924 = arith.constant 2304 : i32
      %parallel_loop3A_925 = vector.broadcast %parallel_loop3A_924 : i32 to vector<16xi32>
      %parallel_loop3A_926 = arith.addi %parallel_loop3A_803, %parallel_loop3A_925 : vector<16xi32>
      %parallel_loop3A_927 = arith.constant 2688 : i32
      %parallel_loop3A_928 = vector.broadcast %parallel_loop3A_927 : i32 to vector<16xi32>
      %parallel_loop3A_929 = arith.addi %parallel_loop3A_803, %parallel_loop3A_928 : vector<16xi32>
      %parallel_loop3A_930 = arith.mulf %parallel_loop3A_877, %parallel_loop3A_36 : vector<16xf32>
      %parallel_loop3A_931 = arith.mulf %parallel_loop3A_881, %parallel_loop3A_36 : vector<16xf32>
      %parallel_loop3A_932 = arith.mulf %parallel_loop3A_885, %parallel_loop3A_36 : vector<16xf32>
      %parallel_loop3A_933 = arith.mulf %parallel_loop3A_889, %parallel_loop3A_36 : vector<16xf32>
      %parallel_loop3A_934 = arith.mulf %parallel_loop3A_893, %parallel_loop3A_36 : vector<16xf32>
      %parallel_loop3A_935 = arith.mulf %parallel_loop3A_897, %parallel_loop3A_36 : vector<16xf32>
      %parallel_loop3A_936 = arith.mulf %parallel_loop3A_901, %parallel_loop3A_36 : vector<16xf32>
      %parallel_loop3A_937 = arith.mulf %parallel_loop3A_905, %parallel_loop3A_36 : vector<16xf32>
      tpu.vector_store_idx %arg9[%parallel_loop3A_908], %parallel_loop3A_930 masked %parallel_loop3A_873 {add = true} : memref<3072xf32, #tpu.memory_space<vmem>>[vector<16xi32>], vector<16xf32>, vector<16xi1>
      tpu.vector_store_idx %arg9[%parallel_loop3A_911], %parallel_loop3A_931 masked %parallel_loop3A_873 {add = true} : memref<3072xf32, #tpu.memory_space<vmem>>[vector<16xi32>], vector<16xf32>, vector<16xi1>
      tpu.vector_store_idx %arg9[%parallel_loop3A_914], %parallel_loop3A_932 masked %parallel_loop3A_873 {add = true} : memref<3072xf32, #tpu.memory_space<vmem>>[vector<16xi32>], vector<16xf32>, vector<16xi1>
      tpu.vector_store_idx %arg9[%parallel_loop3A_917], %parallel_loop3A_933 masked %parallel_loop3A_873 {add = true} : memref<3072xf32, #tpu.memory_space<vmem>>[vector<16xi32>], vector<16xf32>, vector<16xi1>
      tpu.vector_store_idx %arg9[%parallel_loop3A_920], %parallel_loop3A_934 masked %parallel_loop3A_873 {add = true} : memref<3072xf32, #tpu.memory_space<vmem>>[vector<16xi32>], vector<16xf32>, vector<16xi1>
      tpu.vector_store_idx %arg9[%parallel_loop3A_923], %parallel_loop3A_935 masked %parallel_loop3A_873 {add = true} : memref<3072xf32, #tpu.memory_space<vmem>>[vector<16xi32>], vector<16xf32>, vector<16xi1>
      tpu.vector_store_idx %arg9[%parallel_loop3A_926], %parallel_loop3A_936 masked %parallel_loop3A_873 {add = true} : memref<3072xf32, #tpu.memory_space<vmem>>[vector<16xi32>], vector<16xf32>, vector<16xi1>
      tpu.vector_store_idx %arg9[%parallel_loop3A_929], %parallel_loop3A_937 masked %parallel_loop3A_873 {add = true} : memref<3072xf32, #tpu.memory_space<vmem>>[vector<16xi32>], vector<16xf32>, vector<16xi1>
      %parallel_loop3A_938 = arith.constant 14 : i32
      %parallel_loop3A_939 = arith.index_cast %parallel_loop3A_938 : i32 to index
      %parallel_loop3A_940 = arith.index_cast %parallel_loop3A_34 : i32 to index
      %parallel_loop3A_941 = tpu.vector_load %arg7[%parallel_loop3A_939, %parallel_loop3A_940] {strides = array<i32>} : memref<16x128xi32, #tpu.memory_space<vmem>>, vector<16xi32>,
      %parallel_loop3A_942 = arith.cmpi ne, %parallel_loop3A_872, %parallel_loop3A_941 : vector<16xi32>
      %parallel_loop3A_943 = arith.constant 13 : i32
      %parallel_loop3A_944 = arith.index_cast %parallel_loop3A_943 : i32 to index
      %parallel_loop3A_945 = arith.index_cast %parallel_loop3A_34 : i32 to index
      %parallel_loop3A_946 = tpu.vector_load %arg6[%parallel_loop3A_944, %parallel_loop3A_945] {strides = array<i32>} : memref<128x128xf32, #tpu.memory_space<vmem>>, vector<16xf32>,
      %parallel_loop3A_947 = arith.constant 29 : i32
      %parallel_loop3A_948 = arith.index_cast %parallel_loop3A_947 : i32 to index
      %parallel_loop3A_949 = arith.index_cast %parallel_loop3A_34 : i32 to index
      %parallel_loop3A_950 = tpu.vector_load %arg6[%parallel_loop3A_948, %parallel_loop3A_949] {strides = array<i32>} : memref<128x128xf32, #tpu.memory_space<vmem>>, vector<16xf32>,
      %parallel_loop3A_951 = arith.constant 45 : i32
      %parallel_loop3A_952 = arith.index_cast %parallel_loop3A_951 : i32 to index
      %parallel_loop3A_953 = arith.index_cast %parallel_loop3A_34 : i32 to index
      %parallel_loop3A_954 = tpu.vector_load %arg6[%parallel_loop3A_952, %parallel_loop3A_953] {strides = array<i32>} : memref<128x128xf32, #tpu.memory_space<vmem>>, vector<16xf32>,
      %parallel_loop3A_955 = arith.constant 61 : i32
      %parallel_loop3A_956 = arith.index_cast %parallel_loop3A_955 : i32 to index
      %parallel_loop3A_957 = arith.index_cast %parallel_loop3A_34 : i32 to index
      %parallel_loop3A_958 = tpu.vector_load %arg6[%parallel_loop3A_956, %parallel_loop3A_957] {strides = array<i32>} : memref<128x128xf32, #tpu.memory_space<vmem>>, vector<16xf32>,
      %parallel_loop3A_959 = arith.constant 77 : i32
      %parallel_loop3A_960 = arith.index_cast %parallel_loop3A_959 : i32 to index
      %parallel_loop3A_961 = arith.index_cast %parallel_loop3A_34 : i32 to index
      %parallel_loop3A_962 = tpu.vector_load %arg6[%parallel_loop3A_960, %parallel_loop3A_961] {strides = array<i32>} : memref<128x128xf32, #tpu.memory_space<vmem>>, vector<16xf32>,
      %parallel_loop3A_963 = arith.constant 93 : i32
      %parallel_loop3A_964 = arith.index_cast %parallel_loop3A_963 : i32 to index
      %parallel_loop3A_965 = arith.index_cast %parallel_loop3A_34 : i32 to index
      %parallel_loop3A_966 = tpu.vector_load %arg6[%parallel_loop3A_964, %parallel_loop3A_965] {strides = array<i32>} : memref<128x128xf32, #tpu.memory_space<vmem>>, vector<16xf32>,
      %parallel_loop3A_967 = arith.constant 109 : i32
      %parallel_loop3A_968 = arith.index_cast %parallel_loop3A_967 : i32 to index
      %parallel_loop3A_969 = arith.index_cast %parallel_loop3A_34 : i32 to index
      %parallel_loop3A_970 = tpu.vector_load %arg6[%parallel_loop3A_968, %parallel_loop3A_969] {strides = array<i32>} : memref<128x128xf32, #tpu.memory_space<vmem>>, vector<16xf32>,
      %parallel_loop3A_971 = arith.constant 125 : i32
      %parallel_loop3A_972 = arith.index_cast %parallel_loop3A_971 : i32 to index
      %parallel_loop3A_973 = arith.index_cast %parallel_loop3A_34 : i32 to index
      %parallel_loop3A_974 = tpu.vector_load %arg6[%parallel_loop3A_972, %parallel_loop3A_973] {strides = array<i32>} : memref<128x128xf32, #tpu.memory_space<vmem>>, vector<16xf32>,
      %parallel_loop3A_975 = arith.constant 0 : i32
      %parallel_loop3A_976 = vector.broadcast %parallel_loop3A_975 : i32 to vector<16xi32>
      %parallel_loop3A_977 = arith.addi %parallel_loop3A_872, %parallel_loop3A_976 : vector<16xi32>
      %parallel_loop3A_978 = arith.constant 384 : i32
      %parallel_loop3A_979 = vector.broadcast %parallel_loop3A_978 : i32 to vector<16xi32>
      %parallel_loop3A_980 = arith.addi %parallel_loop3A_872, %parallel_loop3A_979 : vector<16xi32>
      %parallel_loop3A_981 = arith.constant 768 : i32
      %parallel_loop3A_982 = vector.broadcast %parallel_loop3A_981 : i32 to vector<16xi32>
      %parallel_loop3A_983 = arith.addi %parallel_loop3A_872, %parallel_loop3A_982 : vector<16xi32>
      %parallel_loop3A_984 = arith.constant 1152 : i32
      %parallel_loop3A_985 = vector.broadcast %parallel_loop3A_984 : i32 to vector<16xi32>
      %parallel_loop3A_986 = arith.addi %parallel_loop3A_872, %parallel_loop3A_985 : vector<16xi32>
      %parallel_loop3A_987 = arith.constant 1536 : i32
      %parallel_loop3A_988 = vector.broadcast %parallel_loop3A_987 : i32 to vector<16xi32>
      %parallel_loop3A_989 = arith.addi %parallel_loop3A_872, %parallel_loop3A_988 : vector<16xi32>
      %parallel_loop3A_990 = arith.constant 1920 : i32
      %parallel_loop3A_991 = vector.broadcast %parallel_loop3A_990 : i32 to vector<16xi32>
      %parallel_loop3A_992 = arith.addi %parallel_loop3A_872, %parallel_loop3A_991 : vector<16xi32>
      %parallel_loop3A_993 = arith.constant 2304 : i32
      %parallel_loop3A_994 = vector.broadcast %parallel_loop3A_993 : i32 to vector<16xi32>
      %parallel_loop3A_995 = arith.addi %parallel_loop3A_872, %parallel_loop3A_994 : vector<16xi32>
      %parallel_loop3A_996 = arith.constant 2688 : i32
      %parallel_loop3A_997 = vector.broadcast %parallel_loop3A_996 : i32 to vector<16xi32>
      %parallel_loop3A_998 = arith.addi %parallel_loop3A_872, %parallel_loop3A_997 : vector<16xi32>
      %parallel_loop3A_999 = arith.mulf %parallel_loop3A_946, %parallel_loop3A_36 : vector<16xf32>
      %parallel_loop3A_1000 = arith.mulf %parallel_loop3A_950, %parallel_loop3A_36 : vector<16xf32>
      %parallel_loop3A_1001 = arith.mulf %parallel_loop3A_954, %parallel_loop3A_36 : vector<16xf32>
      %parallel_loop3A_1002 = arith.mulf %parallel_loop3A_958, %parallel_loop3A_36 : vector<16xf32>
      %parallel_loop3A_1003 = arith.mulf %parallel_loop3A_962, %parallel_loop3A_36 : vector<16xf32>
      %parallel_loop3A_1004 = arith.mulf %parallel_loop3A_966, %parallel_loop3A_36 : vector<16xf32>
      %parallel_loop3A_1005 = arith.mulf %parallel_loop3A_970, %parallel_loop3A_36 : vector<16xf32>
      %parallel_loop3A_1006 = arith.mulf %parallel_loop3A_974, %parallel_loop3A_36 : vector<16xf32>
      tpu.vector_store_idx %arg9[%parallel_loop3A_977], %parallel_loop3A_999 masked %parallel_loop3A_942 {add = true} : memref<3072xf32, #tpu.memory_space<vmem>>[vector<16xi32>], vector<16xf32>, vector<16xi1>
      tpu.vector_store_idx %arg9[%parallel_loop3A_980], %parallel_loop3A_1000 masked %parallel_loop3A_942 {add = true} : memref<3072xf32, #tpu.memory_space<vmem>>[vector<16xi32>], vector<16xf32>, vector<16xi1>
      tpu.vector_store_idx %arg9[%parallel_loop3A_983], %parallel_loop3A_1001 masked %parallel_loop3A_942 {add = true} : memref<3072xf32, #tpu.memory_space<vmem>>[vector<16xi32>], vector<16xf32>, vector<16xi1>
      tpu.vector_store_idx %arg9[%parallel_loop3A_986], %parallel_loop3A_1002 masked %parallel_loop3A_942 {add = true} : memref<3072xf32, #tpu.memory_space<vmem>>[vector<16xi32>], vector<16xf32>, vector<16xi1>
      tpu.vector_store_idx %arg9[%parallel_loop3A_989], %parallel_loop3A_1003 masked %parallel_loop3A_942 {add = true} : memref<3072xf32, #tpu.memory_space<vmem>>[vector<16xi32>], vector<16xf32>, vector<16xi1>
      tpu.vector_store_idx %arg9[%parallel_loop3A_992], %parallel_loop3A_1004 masked %parallel_loop3A_942 {add = true} : memref<3072xf32, #tpu.memory_space<vmem>>[vector<16xi32>], vector<16xf32>, vector<16xi1>
      tpu.vector_store_idx %arg9[%parallel_loop3A_995], %parallel_loop3A_1005 masked %parallel_loop3A_942 {add = true} : memref<3072xf32, #tpu.memory_space<vmem>>[vector<16xi32>], vector<16xf32>, vector<16xi1>
      tpu.vector_store_idx %arg9[%parallel_loop3A_998], %parallel_loop3A_1006 masked %parallel_loop3A_942 {add = true} : memref<3072xf32, #tpu.memory_space<vmem>>[vector<16xi32>], vector<16xf32>, vector<16xi1>
      %parallel_loop3A_1007 = arith.constant 15 : i32
      %parallel_loop3A_1008 = arith.index_cast %parallel_loop3A_1007 : i32 to index
      %parallel_loop3A_1009 = arith.index_cast %parallel_loop3A_34 : i32 to index
      %parallel_loop3A_1010 = tpu.vector_load %arg7[%parallel_loop3A_1008, %parallel_loop3A_1009] {strides = array<i32>} : memref<16x128xi32, #tpu.memory_space<vmem>>, vector<16xi32>,
      %parallel_loop3A_1011 = arith.cmpi ne, %parallel_loop3A_941, %parallel_loop3A_1010 : vector<16xi32>
      %parallel_loop3A_1012 = arith.constant 14 : i32
      %parallel_loop3A_1013 = arith.index_cast %parallel_loop3A_1012 : i32 to index
      %parallel_loop3A_1014 = arith.index_cast %parallel_loop3A_34 : i32 to index
      %parallel_loop3A_1015 = tpu.vector_load %arg6[%parallel_loop3A_1013, %parallel_loop3A_1014] {strides = array<i32>} : memref<128x128xf32, #tpu.memory_space<vmem>>, vector<16xf32>,
      %parallel_loop3A_1016 = arith.constant 30 : i32
      %parallel_loop3A_1017 = arith.index_cast %parallel_loop3A_1016 : i32 to index
      %parallel_loop3A_1018 = arith.index_cast %parallel_loop3A_34 : i32 to index
      %parallel_loop3A_1019 = tpu.vector_load %arg6[%parallel_loop3A_1017, %parallel_loop3A_1018] {strides = array<i32>} : memref<128x128xf32, #tpu.memory_space<vmem>>, vector<16xf32>,
      %parallel_loop3A_1020 = arith.constant 46 : i32
      %parallel_loop3A_1021 = arith.index_cast %parallel_loop3A_1020 : i32 to index
      %parallel_loop3A_1022 = arith.index_cast %parallel_loop3A_34 : i32 to index
      %parallel_loop3A_1023 = tpu.vector_load %arg6[%parallel_loop3A_1021, %parallel_loop3A_1022] {strides = array<i32>} : memref<128x128xf32, #tpu.memory_space<vmem>>, vector<16xf32>,
      %parallel_loop3A_1024 = arith.constant 62 : i32
      %parallel_loop3A_1025 = arith.index_cast %parallel_loop3A_1024 : i32 to index
      %parallel_loop3A_1026 = arith.index_cast %parallel_loop3A_34 : i32 to index
      %parallel_loop3A_1027 = tpu.vector_load %arg6[%parallel_loop3A_1025, %parallel_loop3A_1026] {strides = array<i32>} : memref<128x128xf32, #tpu.memory_space<vmem>>, vector<16xf32>,
      %parallel_loop3A_1028 = arith.constant 78 : i32
      %parallel_loop3A_1029 = arith.index_cast %parallel_loop3A_1028 : i32 to index
      %parallel_loop3A_1030 = arith.index_cast %parallel_loop3A_34 : i32 to index
      %parallel_loop3A_1031 = tpu.vector_load %arg6[%parallel_loop3A_1029, %parallel_loop3A_1030] {strides = array<i32>} : memref<128x128xf32, #tpu.memory_space<vmem>>, vector<16xf32>,
      %parallel_loop3A_1032 = arith.constant 94 : i32
      %parallel_loop3A_1033 = arith.index_cast %parallel_loop3A_1032 : i32 to index
      %parallel_loop3A_1034 = arith.index_cast %parallel_loop3A_34 : i32 to index
      %parallel_loop3A_1035 = tpu.vector_load %arg6[%parallel_loop3A_1033, %parallel_loop3A_1034] {strides = array<i32>} : memref<128x128xf32, #tpu.memory_space<vmem>>, vector<16xf32>,
      %parallel_loop3A_1036 = arith.constant 110 : i32
      %parallel_loop3A_1037 = arith.index_cast %parallel_loop3A_1036 : i32 to index
      %parallel_loop3A_1038 = arith.index_cast %parallel_loop3A_34 : i32 to index
      %parallel_loop3A_1039 = tpu.vector_load %arg6[%parallel_loop3A_1037, %parallel_loop3A_1038] {strides = array<i32>} : memref<128x128xf32, #tpu.memory_space<vmem>>, vector<16xf32>,
      %parallel_loop3A_1040 = arith.constant 126 : i32
      %parallel_loop3A_1041 = arith.index_cast %parallel_loop3A_1040 : i32 to index
      %parallel_loop3A_1042 = arith.index_cast %parallel_loop3A_34 : i32 to index
      %parallel_loop3A_1043 = tpu.vector_load %arg6[%parallel_loop3A_1041, %parallel_loop3A_1042] {strides = array<i32>} : memref<128x128xf32, #tpu.memory_space<vmem>>, vector<16xf32>,
      %parallel_loop3A_1044 = arith.constant 0 : i32
      %parallel_loop3A_1045 = vector.broadcast %parallel_loop3A_1044 : i32 to vector<16xi32>
      %parallel_loop3A_1046 = arith.addi %parallel_loop3A_941, %parallel_loop3A_1045 : vector<16xi32>
      %parallel_loop3A_1047 = arith.constant 384 : i32
      %parallel_loop3A_1048 = vector.broadcast %parallel_loop3A_1047 : i32 to vector<16xi32>
      %parallel_loop3A_1049 = arith.addi %parallel_loop3A_941, %parallel_loop3A_1048 : vector<16xi32>
      %parallel_loop3A_1050 = arith.constant 768 : i32
      %parallel_loop3A_1051 = vector.broadcast %parallel_loop3A_1050 : i32 to vector<16xi32>
      %parallel_loop3A_1052 = arith.addi %parallel_loop3A_941, %parallel_loop3A_1051 : vector<16xi32>
      %parallel_loop3A_1053 = arith.constant 1152 : i32
      %parallel_loop3A_1054 = vector.broadcast %parallel_loop3A_1053 : i32 to vector<16xi32>
      %parallel_loop3A_1055 = arith.addi %parallel_loop3A_941, %parallel_loop3A_1054 : vector<16xi32>
      %parallel_loop3A_1056 = arith.constant 1536 : i32
      %parallel_loop3A_1057 = vector.broadcast %parallel_loop3A_1056 : i32 to vector<16xi32>
      %parallel_loop3A_1058 = arith.addi %parallel_loop3A_941, %parallel_loop3A_1057 : vector<16xi32>
      %parallel_loop3A_1059 = arith.constant 1920 : i32
      %parallel_loop3A_1060 = vector.broadcast %parallel_loop3A_1059 : i32 to vector<16xi32>
      %parallel_loop3A_1061 = arith.addi %parallel_loop3A_941, %parallel_loop3A_1060 : vector<16xi32>
      %parallel_loop3A_1062 = arith.constant 2304 : i32
      %parallel_loop3A_1063 = vector.broadcast %parallel_loop3A_1062 : i32 to vector<16xi32>
      %parallel_loop3A_1064 = arith.addi %parallel_loop3A_941, %parallel_loop3A_1063 : vector<16xi32>
      %parallel_loop3A_1065 = arith.constant 2688 : i32
      %parallel_loop3A_1066 = vector.broadcast %parallel_loop3A_1065 : i32 to vector<16xi32>
      %parallel_loop3A_1067 = arith.addi %parallel_loop3A_941, %parallel_loop3A_1066 : vector<16xi32>
      %parallel_loop3A_1068 = arith.mulf %parallel_loop3A_1015, %parallel_loop3A_36 : vector<16xf32>
      %parallel_loop3A_1069 = arith.mulf %parallel_loop3A_1019, %parallel_loop3A_36 : vector<16xf32>
      %parallel_loop3A_1070 = arith.mulf %parallel_loop3A_1023, %parallel_loop3A_36 : vector<16xf32>
      %parallel_loop3A_1071 = arith.mulf %parallel_loop3A_1027, %parallel_loop3A_36 : vector<16xf32>
      %parallel_loop3A_1072 = arith.mulf %parallel_loop3A_1031, %parallel_loop3A_36 : vector<16xf32>
      %parallel_loop3A_1073 = arith.mulf %parallel_loop3A_1035, %parallel_loop3A_36 : vector<16xf32>
      %parallel_loop3A_1074 = arith.mulf %parallel_loop3A_1039, %parallel_loop3A_36 : vector<16xf32>
      %parallel_loop3A_1075 = arith.mulf %parallel_loop3A_1043, %parallel_loop3A_36 : vector<16xf32>
      tpu.vector_store_idx %arg9[%parallel_loop3A_1046], %parallel_loop3A_1068 masked %parallel_loop3A_1011 {add = true} : memref<3072xf32, #tpu.memory_space<vmem>>[vector<16xi32>], vector<16xf32>, vector<16xi1>
      tpu.vector_store_idx %arg9[%parallel_loop3A_1049], %parallel_loop3A_1069 masked %parallel_loop3A_1011 {add = true} : memref<3072xf32, #tpu.memory_space<vmem>>[vector<16xi32>], vector<16xf32>, vector<16xi1>
      tpu.vector_store_idx %arg9[%parallel_loop3A_1052], %parallel_loop3A_1070 masked %parallel_loop3A_1011 {add = true} : memref<3072xf32, #tpu.memory_space<vmem>>[vector<16xi32>], vector<16xf32>, vector<16xi1>
      tpu.vector_store_idx %arg9[%parallel_loop3A_1055], %parallel_loop3A_1071 masked %parallel_loop3A_1011 {add = true} : memref<3072xf32, #tpu.memory_space<vmem>>[vector<16xi32>], vector<16xf32>, vector<16xi1>
      tpu.vector_store_idx %arg9[%parallel_loop3A_1058], %parallel_loop3A_1072 masked %parallel_loop3A_1011 {add = true} : memref<3072xf32, #tpu.memory_space<vmem>>[vector<16xi32>], vector<16xf32>, vector<16xi1>
      tpu.vector_store_idx %arg9[%parallel_loop3A_1061], %parallel_loop3A_1073 masked %parallel_loop3A_1011 {add = true} : memref<3072xf32, #tpu.memory_space<vmem>>[vector<16xi32>], vector<16xf32>, vector<16xi1>
      tpu.vector_store_idx %arg9[%parallel_loop3A_1064], %parallel_loop3A_1074 masked %parallel_loop3A_1011 {add = true} : memref<3072xf32, #tpu.memory_space<vmem>>[vector<16xi32>], vector<16xf32>, vector<16xi1>
      tpu.vector_store_idx %arg9[%parallel_loop3A_1067], %parallel_loop3A_1075 masked %parallel_loop3A_1011 {add = true} : memref<3072xf32, #tpu.memory_space<vmem>>[vector<16xi32>], vector<16xf32>, vector<16xi1>
      %parallel_loop3A_1076 = arith.constant 15 : i32
      %parallel_loop3A_1077 = arith.index_cast %parallel_loop3A_1076 : i32 to index
      %parallel_loop3A_1078 = arith.index_cast %parallel_loop3A_34 : i32 to index
      %parallel_loop3A_1079 = tpu.vector_load %arg6[%parallel_loop3A_1077, %parallel_loop3A_1078] {strides = array<i32>} : memref<128x128xf32, #tpu.memory_space<vmem>>, vector<16xf32>,
      %parallel_loop3A_1080 = arith.constant 31 : i32
      %parallel_loop3A_1081 = arith.index_cast %parallel_loop3A_1080 : i32 to index
      %parallel_loop3A_1082 = arith.index_cast %parallel_loop3A_34 : i32 to index
      %parallel_loop3A_1083 = tpu.vector_load %arg6[%parallel_loop3A_1081, %parallel_loop3A_1082] {strides = array<i32>} : memref<128x128xf32, #tpu.memory_space<vmem>>, vector<16xf32>,
      %parallel_loop3A_1084 = arith.constant 47 : i32
      %parallel_loop3A_1085 = arith.index_cast %parallel_loop3A_1084 : i32 to index
      %parallel_loop3A_1086 = arith.index_cast %parallel_loop3A_34 : i32 to index
      %parallel_loop3A_1087 = tpu.vector_load %arg6[%parallel_loop3A_1085, %parallel_loop3A_1086] {strides = array<i32>} : memref<128x128xf32, #tpu.memory_space<vmem>>, vector<16xf32>,
      %parallel_loop3A_1088 = arith.constant 63 : i32
      %parallel_loop3A_1089 = arith.index_cast %parallel_loop3A_1088 : i32 to index
      %parallel_loop3A_1090 = arith.index_cast %parallel_loop3A_34 : i32 to index
      %parallel_loop3A_1091 = tpu.vector_load %arg6[%parallel_loop3A_1089, %parallel_loop3A_1090] {strides = array<i32>} : memref<128x128xf32, #tpu.memory_space<vmem>>, vector<16xf32>,
      %parallel_loop3A_1092 = arith.constant 79 : i32
      %parallel_loop3A_1093 = arith.index_cast %parallel_loop3A_1092 : i32 to index
      %parallel_loop3A_1094 = arith.index_cast %parallel_loop3A_34 : i32 to index
      %parallel_loop3A_1095 = tpu.vector_load %arg6[%parallel_loop3A_1093, %parallel_loop3A_1094] {strides = array<i32>} : memref<128x128xf32, #tpu.memory_space<vmem>>, vector<16xf32>,
      %parallel_loop3A_1096 = arith.constant 95 : i32
      %parallel_loop3A_1097 = arith.index_cast %parallel_loop3A_1096 : i32 to index
      %parallel_loop3A_1098 = arith.index_cast %parallel_loop3A_34 : i32 to index
      %parallel_loop3A_1099 = tpu.vector_load %arg6[%parallel_loop3A_1097, %parallel_loop3A_1098] {strides = array<i32>} : memref<128x128xf32, #tpu.memory_space<vmem>>, vector<16xf32>,
      %parallel_loop3A_1100 = arith.constant 111 : i32
      %parallel_loop3A_1101 = arith.index_cast %parallel_loop3A_1100 : i32 to index
      %parallel_loop3A_1102 = arith.index_cast %parallel_loop3A_34 : i32 to index
      %parallel_loop3A_1103 = tpu.vector_load %arg6[%parallel_loop3A_1101, %parallel_loop3A_1102] {strides = array<i32>} : memref<128x128xf32, #tpu.memory_space<vmem>>, vector<16xf32>,
      %parallel_loop3A_1104 = arith.constant 127 : i32
      %parallel_loop3A_1105 = arith.index_cast %parallel_loop3A_1104 : i32 to index
      %parallel_loop3A_1106 = arith.index_cast %parallel_loop3A_34 : i32 to index
      %parallel_loop3A_1107 = tpu.vector_load %arg6[%parallel_loop3A_1105, %parallel_loop3A_1106] {strides = array<i32>} : memref<128x128xf32, #tpu.memory_space<vmem>>, vector<16xf32>,
      %parallel_loop3A_1108 = arith.constant 0 : i32
      %parallel_loop3A_1109 = vector.broadcast %parallel_loop3A_1108 : i32 to vector<16xi32>
      %parallel_loop3A_1110 = arith.addi %parallel_loop3A_1010, %parallel_loop3A_1109 : vector<16xi32>
      %parallel_loop3A_1111 = arith.constant 384 : i32
      %parallel_loop3A_1112 = vector.broadcast %parallel_loop3A_1111 : i32 to vector<16xi32>
      %parallel_loop3A_1113 = arith.addi %parallel_loop3A_1010, %parallel_loop3A_1112 : vector<16xi32>
      %parallel_loop3A_1114 = arith.constant 768 : i32
      %parallel_loop3A_1115 = vector.broadcast %parallel_loop3A_1114 : i32 to vector<16xi32>
      %parallel_loop3A_1116 = arith.addi %parallel_loop3A_1010, %parallel_loop3A_1115 : vector<16xi32>
      %parallel_loop3A_1117 = arith.constant 1152 : i32
      %parallel_loop3A_1118 = vector.broadcast %parallel_loop3A_1117 : i32 to vector<16xi32>
      %parallel_loop3A_1119 = arith.addi %parallel_loop3A_1010, %parallel_loop3A_1118 : vector<16xi32>
      %parallel_loop3A_1120 = arith.constant 1536 : i32
      %parallel_loop3A_1121 = vector.broadcast %parallel_loop3A_1120 : i32 to vector<16xi32>
      %parallel_loop3A_1122 = arith.addi %parallel_loop3A_1010, %parallel_loop3A_1121 : vector<16xi32>
      %parallel_loop3A_1123 = arith.constant 1920 : i32
      %parallel_loop3A_1124 = vector.broadcast %parallel_loop3A_1123 : i32 to vector<16xi32>
      %parallel_loop3A_1125 = arith.addi %parallel_loop3A_1010, %parallel_loop3A_1124 : vector<16xi32>
      %parallel_loop3A_1126 = arith.constant 2304 : i32
      %parallel_loop3A_1127 = vector.broadcast %parallel_loop3A_1126 : i32 to vector<16xi32>
      %parallel_loop3A_1128 = arith.addi %parallel_loop3A_1010, %parallel_loop3A_1127 : vector<16xi32>
      %parallel_loop3A_1129 = arith.constant 2688 : i32
      %parallel_loop3A_1130 = vector.broadcast %parallel_loop3A_1129 : i32 to vector<16xi32>
      %parallel_loop3A_1131 = arith.addi %parallel_loop3A_1010, %parallel_loop3A_1130 : vector<16xi32>
      %parallel_loop3A_1132 = arith.mulf %parallel_loop3A_1079, %parallel_loop3A_36 : vector<16xf32>
      %parallel_loop3A_1133 = arith.mulf %parallel_loop3A_1083, %parallel_loop3A_36 : vector<16xf32>
      %parallel_loop3A_1134 = arith.mulf %parallel_loop3A_1087, %parallel_loop3A_36 : vector<16xf32>
      %parallel_loop3A_1135 = arith.mulf %parallel_loop3A_1091, %parallel_loop3A_36 : vector<16xf32>
      %parallel_loop3A_1136 = arith.mulf %parallel_loop3A_1095, %parallel_loop3A_36 : vector<16xf32>
      %parallel_loop3A_1137 = arith.mulf %parallel_loop3A_1099, %parallel_loop3A_36 : vector<16xf32>
      %parallel_loop3A_1138 = arith.mulf %parallel_loop3A_1103, %parallel_loop3A_36 : vector<16xf32>
      %parallel_loop3A_1139 = arith.mulf %parallel_loop3A_1107, %parallel_loop3A_36 : vector<16xf32>
      tpu.vector_store_idx %arg9[%parallel_loop3A_1110], %parallel_loop3A_1132 {add = true} : memref<3072xf32, #tpu.memory_space<vmem>>[vector<16xi32>], vector<16xf32>,
      tpu.vector_store_idx %arg9[%parallel_loop3A_1113], %parallel_loop3A_1133 {add = true} : memref<3072xf32, #tpu.memory_space<vmem>>[vector<16xi32>], vector<16xf32>,
      tpu.vector_store_idx %arg9[%parallel_loop3A_1116], %parallel_loop3A_1134 {add = true} : memref<3072xf32, #tpu.memory_space<vmem>>[vector<16xi32>], vector<16xf32>,
      tpu.vector_store_idx %arg9[%parallel_loop3A_1119], %parallel_loop3A_1135 {add = true} : memref<3072xf32, #tpu.memory_space<vmem>>[vector<16xi32>], vector<16xf32>,
      tpu.vector_store_idx %arg9[%parallel_loop3A_1122], %parallel_loop3A_1136 {add = true} : memref<3072xf32, #tpu.memory_space<vmem>>[vector<16xi32>], vector<16xf32>,
      tpu.vector_store_idx %arg9[%parallel_loop3A_1125], %parallel_loop3A_1137 {add = true} : memref<3072xf32, #tpu.memory_space<vmem>>[vector<16xi32>], vector<16xf32>,
      tpu.vector_store_idx %arg9[%parallel_loop3A_1128], %parallel_loop3A_1138 {add = true} : memref<3072xf32, #tpu.memory_space<vmem>>[vector<16xi32>], vector<16xf32>,
      tpu.vector_store_idx %arg9[%parallel_loop3A_1131], %parallel_loop3A_1139 {add = true} : memref<3072xf32, #tpu.memory_space<vmem>>[vector<16xi32>], vector<16xf32>,
    } {sc.loop_unroll_factor = 2 : i64, sc.parallel_access}
    %mul3A_29 = arith.constant 3072 : i32
    %mul3A_30 = arith.muli %add3A, %mul3A_29 : i32
    "tpu.region"() ({
      %run_scoped3A = tpu.sem_alloc : memref<!tpu.dma_semaphore, #tpu.memory_space<semaphore_mem>>
      %dma_start3A_31 = tpu.memref_slice %arg5[%mul3A_30] : memref<98304xf32, #tpu.memory_space<hbm>> -> memref<3072xf32, #tpu.memory_space<hbm>>
      %dma_start3A_32 = tpu.memref_slice %arg5[%mul3A_30] : memref<98304xf32, #tpu.memory_space<hbm>> -> memref<3072xf32, #tpu.memory_space<hbm>>
      tpu.enqueue_dma source(%arg9 : memref<3072xf32, #tpu.memory_space<vmem>>) target(%dma_start3A_32 : memref<3072xf32, #tpu.memory_space<hbm>>) target_semaphore(%run_scoped3A : memref<!tpu.dma_semaphore, #tpu.memory_space<semaphore_mem>>)
      %dma_wait3A_33 = tpu.memref_slice %arg5[%mul3A_30] : memref<98304xf32, #tpu.memory_space<hbm>> -> memref<3072xf32, #tpu.memory_space<hbm>>
      %dma_wait3A_34 = tpu.memref_slice %arg5[%mul3A_30] : memref<98304xf32, #tpu.memory_space<hbm>> -> memref<3072xf32, #tpu.memory_space<hbm>>
      tpu.wait_dma2 semaphore(%run_scoped3A : memref<!tpu.dma_semaphore, #tpu.memory_space<semaphore_mem>>) src(%arg9 : memref<3072xf32, #tpu.memory_space<vmem>>) dst(%dma_wait3A_34 : memref<3072xf32, #tpu.memory_space<hbm>>)
      tpu.yield
    }) : () -> ()
    return
  }
}

module attributes {stable_mosaic.version = 14 : i64} {
  func.func @_finish_body(%arg0: memref<32x24x128xf32, #tpu.memory_space<vmem>>, %arg1: memref<32x128xf32, #tpu.memory_space<vmem>>, %arg2: memref<24x128xf32, #tpu.memory_space<vmem>>, %arg3: memref<24x128xf32, #tpu.memory_space<vmem>>) attributes {dimension_semantics = [], scalar_prefetch = 0 : i64, scratch_operands = 0 : i64, tpu.core_type = #tpu.core_type<tc>} {
    %get3A = arith.constant 0 : index
    %get3A_0 = arith.constant 0 : index
    %get3A_1 = vector.load %arg1[%get3A, %get3A_0] : memref<32x128xf32, #tpu.memory_space<vmem>>, vector<32x128xf32>
    %reduce_sum3A = vector.shape_cast %get3A_1 : vector<32x128xf32> to vector<1x32x128xf32>
    %reduce_sum3A_2 = arith.constant dense<0.000000e+00> : vector<1xf32>
    %reduce_sum3A_3 = vector.multi_reduction <add>, %reduce_sum3A, %reduce_sum3A_2 [1, 2] : vector<1x32x128xf32> to vector<1xf32>
    %reduce_sum3A_4 = vector.shape_cast %reduce_sum3A_3 : vector<1xf32> to vector<1x1x1xf32>
    %reduce_sum3A_5 = vector.extract %reduce_sum3A_4[0, 0, 0] : f32 from vector<1x1x1xf32>
    %get3A_6 = arith.constant 0 : index
    %get3A_7 = arith.constant 0 : index
    %get3A_8 = arith.constant 0 : index
    %get3A_9 = vector.load %arg0[%get3A_6, %get3A_7, %get3A_8] : memref<32x24x128xf32, #tpu.memory_space<vmem>>, vector<32x24x128xf32>
    %reduce_sum3A_10 = arith.constant dense<0.000000e+00> : vector<24x128xf32>
    %reduce_sum3A_11 = vector.multi_reduction <add>, %get3A_9, %reduce_sum3A_10 [0] : vector<32x24x128xf32> to vector<24x128xf32>
    %get3A_12 = arith.constant 0 : index
    %get3A_13 = arith.constant 0 : index
    %get3A_14 = vector.load %arg2[%get3A_12, %get3A_13] : memref<24x128xf32, #tpu.memory_space<vmem>>, vector<24x128xf32>
    %mul3A = arith.constant 1.000000e+01 : f32
    %mul3A_15 = vector.broadcast %mul3A : f32 to vector<24x128xf32>
    %mul3A_16 = arith.mulf %mul3A_15, %get3A_14 : vector<24x128xf32>
    %add3A = arith.addf %reduce_sum3A_11, %mul3A_16 : vector<24x128xf32>
    %add3A_17 = arith.constant 1.000000e+01 : f32
    %add3A_18 = arith.addf %add3A_17, %reduce_sum3A_5 : f32
    %div3A = arith.constant 1.000000e+00 : f32
    %div3A_19 = arith.divf %div3A, %add3A_18 : f32
    %mul3A_20 = vector.broadcast %div3A_19 : f32 to vector<24x128xf32>
    %mul3A_21 = arith.mulf %add3A, %mul3A_20 : vector<24x128xf32>
    %swap3A = arith.constant 0 : index
    %swap3A_22 = arith.constant 0 : index
    %swap3A_23 = vector.load %arg3[%swap3A, %swap3A_22] : memref<24x128xf32, #tpu.memory_space<vmem>>, vector<24x128xf32>
    tpu.vector_store %arg3[%swap3A, %swap3A_22], %mul3A_21 {strides = array<i32>} : memref<24x128xf32, #tpu.memory_space<vmem>>, vector<24x128xf32>,
    return
  }
}

</mosaic_0001>

<sc_bundles>
// kernel: kernel.4.cloned.1.call-start
scs
__scs_entry_jumppad:
0x0: {  	(pc) =	sbr.rel $0x88, $3  }
0x1: {  	(tag) =	ssettag $0x0;
	lr =	simm.s32 $0x1  }
0x2: {  	[smem:$0x3F9D] =	sst lr;
	_ =	strace $0xD0000000  }
0x3: {  	_ = 	snop  }
0x4: {  	_ = 	snop  }
0x5: {  	_ = 	snop  }
0x6: {  	_ = 	snop  }
0x7: {  	_ = 	snop  }
__scs_overlays_trampoline_lowered:
0x8: {  	[smem:$0x3FAC] =	sst s0  }
0x9: {  	[smem:$0x3FAD] =	sst s1  }
0xa: {  	[smem:$0x3FAE] =	sst s2  }
0xb: {  	[smem:$0x3FAF] =	sst s3  }
0xc: {  	[smem:$0x3FB0] =	sst s4  }
0xd: {  	[smem:$0x3FB1] =	sst s5  }
0xe: {  	[smem:$0x3FB2] =	sst s6  }
0xf: {  	[smem:$0x3FB3] =	sst s7  }
0x10: {  	[smem:$0x3FB4] =	sst s8  }
0x11: {  	[smem:$0x3FB5] =	sst s9;
	s0 =	simm.s32 @!p0 $0x0  }
0x12: {  	s1 =	sld [smem:$0x3F9B];
	s0 =	simm.s32 @p0 $0x1  }
0x13: {  	[smem:$0x3FB6] =	sst s0;
	s0 =	simm.s32 @!p1 $0x0  }
0x14: {  	s2 =	sld [smem:$0x3F9A];
	s0 =	simm.s32 @p1 $0x1  }
0x15: {  	[smem:$0x3FB7] =	sst s0;
	s0 =	simm.s32 @!p2 $0x0  }
0x16: {  	s3 =	sld [smem:$0x3FDB];
	s0 =	simm.s32 @p2 $0x1  }
0x17: {  	s4 =	simm.s32 $0x1BF5;
	[smem:$0x3FB9] =	sst s0  }
0x18: {  	s0 =	sld [smem:$0x3F9C];
	_ =	swait.ge [sflag:s4], $0x0  }
0x19: {  	s7 =	sld [smem:$0x3F9D]  }
0x1a: {  	s8 =	sadd.s32 $0xFFFFE003, lr  }
0x1b: {  	s9 =	sadd.s32 $0xFFFFFEF7, lr;
	s5 =	simm.s32 $0xFFFFFFFF;
	p2 =	slt.u32 s8, $0xFFFFF086  }
0x1c: {  	p1 =	slt.u32 s9, $0xF7A;
	s5 =	simm.s32 @!p2 $0x0  }
0x1d: {  	s5 =	simm.s32 @p1 $0x1;
	p0 =	seq.s32 s7, s2  }
0x1e: {  	s7 =	smul.u32 @!p0 $0xF7A, s2;
	p2 =	seq.s32 @!p0 s5, $0x0  }
0x1f: {  	s9 =	smul.u32 $0xF7A, s1;
	s8 =	simm.s32 @!p0 $0x1BF5;
	p2 =	por !p2, p0  }
0x20: {  	[sflag:s8] =	ssyncset.s32 @!p0 $0xFFFFF086;
	s6 =	sadd.s32 @!p0 s3, s7;
	s7 =	simm.s32 @!p0 $0x108  }
0x21: {  	s3 =	sadd.s32 s3, s9;
	s6 =	sadd.s32 @!p0 $0x88, s6;
	s7 =	simm.s32 @p2 $0x1082  }
0x22: {  	[simem:s7], [sflag:s8] =	dma.local @!p0 [hbm:s6], $0xF7A  }
0x23: {  	s9 =	sor.u32 $0xD0000000, s2;
	s6 =	simm.s32 $0x108;
	_ =	swait.ge @!p0 [sflag:s8], $0x0  }
0x24: {  	s3 =	sadd.s32 $0x88, s3;
	s6 =	simm.s32 @!p1 $0x1082;
	[sflag:s4] =	ssyncset.s32 $0xFFFFF086  }
0x25: {  	[simem:s6], [sflag:s4] =	dma.local [hbm:s3], $0xF7A  }
0x26: {  	[smem:$0x3F9D] =	sst s1;
	(tag) =	ssettag s2;
	_ =	strace s9  }
0x27: {  	s1 =	sld [smem:$0x3FAD]  }
0x28: {  	s2 =	sld [smem:$0x3FAE]  }
0x29: {  	s4 =	sld [smem:$0x3FB0]  }
0x2a: {  	p0 =	seq.s32 s5, $0x0;
	s5 =	sld [smem:$0x3FB1]  }
0x2b: {  	s6 =	sld [smem:$0x3FB2]  }
0x2c: {  	s7 =	sld [smem:$0x3FB3]  }
0x2d: {  	s3 =	simm.s32 $0x108;
	s8 =	sld [smem:$0x3FB4]  }
0x2e: {  	s3 =	simm.s32 @!p0 $0x1082;
	s9 =	sld [smem:$0x3FB5]  }
0x2f: {  	lr =	sadd.s32 s0, s3;
	s0 =	sld [smem:$0x3FAC]  }
0x30: {  	s3 =	sld [smem:$0x3FAF]  }
0x31: {  	[smem:$0x3FB8] =	sst s10  }
0x32: {  	s10 =	sld [smem:$0x3FB6];
	_ =	sdelay $0x3  }
0x33: {  	p0 =	seq.s32 s10, $0x1;
	s10 =	sld [smem:$0x3FB8];
	_ =	sdelay $0x3  }
0x34: {  	[smem:$0x3FB8] =	sst s10  }
0x35: {  	s10 =	sld [smem:$0x3FB7];
	_ =	sdelay $0x3  }
0x36: {  	p1 =	seq.s32 s10, $0x1;
	s10 =	sld [smem:$0x3FB8];
	_ =	sdelay $0x3  }
0x37: {  	[smem:$0x3FB8] =	sst s10  }
0x38: {  	s10 =	sld [smem:$0x3FB9]  }
0x39: {  	_ = 	snop;
	(pc) =	sbr.ind lr, $3  }
0x3a: {  	_ = 	snop  }
0x3b: {  	_ = 	snop  }
0x3c: {  	p2 =	seq.s32 s10, $0x1;
	s10 =	sld [smem:$0x3FB8]  }
0x3d: {  	_ =	shalt  }
0x3e: {  	_ =	shalt  }
0x3f: {  	_ =	shalt  }
0x40: {  	_ =	shalt  }
0x41: {  	_ =	shalt  }
0x42: {  	_ =	shalt  }
0x43: {  	_ =	shalt  }
0x44: {  	_ =	shalt  }
0x45: {  	_ =	shalt  }
0x46: {  	_ =	shalt  }
0x47: {  	_ =	shalt  }
0x48: {  	_ =	shalt  }
0x49: {  	_ =	shalt  }
0x4a: {  	_ =	shalt  }
0x4b: {  	_ =	shalt  }
0x4c: {  	_ =	shalt  }
0x4d: {  	_ =	shalt  }
0x4e: {  	_ =	shalt  }
0x4f: {  	_ =	shalt  }
0x50: {  	_ =	shalt  }
0x51: {  	_ =	shalt  }
0x52: {  	_ =	shalt  }
0x53: {  	_ =	shalt  }
0x54: {  	_ =	shalt  }
0x55: {  	_ =	shalt  }
0x56: {  	_ =	shalt  }
0x57: {  	_ =	shalt  }
0x58: {  	_ =	shalt  }
0x59: {  	_ =	shalt  }
0x5a: {  	_ =	shalt  }
0x5b: {  	_ =	shalt  }
0x5c: {  	_ =	shalt  }
0x5d: {  	_ =	shalt  }
0x5e: {  	_ =	shalt  }
0x5f: {  	_ =	shalt  }
0x60: {  	_ =	shalt  }
0x61: {  	_ =	shalt  }
0x62: {  	_ =	shalt  }
0x63: {  	_ =	shalt  }
0x64: {  	_ =	shalt  }
0x65: {  	_ =	shalt  }
0x66: {  	_ =	shalt  }
0x67: {  	_ =	shalt  }
0x68: {  	_ =	shalt  }
0x69: {  	_ =	shalt  }
0x6a: {  	_ =	shalt  }
0x6b: {  	_ =	shalt  }
0x6c: {  	_ =	shalt  }
0x6d: {  	_ =	shalt  }
0x6e: {  	_ =	shalt  }
0x6f: {  	_ =	shalt  }
0x70: {  	_ =	shalt  }
0x71: {  	_ =	shalt  }
0x72: {  	_ =	shalt  }
0x73: {  	_ =	shalt  }
0x74: {  	_ =	shalt  }
0x75: {  	_ =	shalt  }
0x76: {  	_ =	shalt  }
0x77: {  	_ =	shalt  }
0x78: {  	_ =	shalt  }
0x79: {  	_ =	shalt  }
0x7a: {  	_ =	shalt  }
0x7b: {  	_ =	shalt  }
0x7c: {  	_ =	shalt  }
0x7d: {  	_ =	shalt  }
0x7e: {  	_ =	shalt  }
0x7f: {  	_ =	shalt  }
0x80: {  	_ =	shalt  }
0x81: {  	_ =	shalt  }
0x82: {  	_ =	shalt  }
0x83: {  	_ =	shalt  }
0x84: {  	_ =	shalt  }
0x85: {  	_ =	shalt  }
0x86: {  	_ =	shalt  }
0x87: {  	_ =	shalt  }
.Lfunc_end0:
.L_simem_size_0:
called_computation_lowered:
.L_overlay_start_0:
0x88: {  	s2 =	sld [smem:$0x3FD9]  }
0x89: {  	s3 =	sld [smem:$0x3FFE];
	_ =	sdelay $0x1  }
0x8a: {  	s1 =	srdreg.scid  }
0x8b: {  	s0 =	sand.u32 $0x1, s1  }
0x8c: {  	s17 =	sshll.u32 s0, $0xA;
	s2 =	sadd.s32 s3, s2  }
0x8d: {  	s2 =	sadd.s32 s2, s17  }
0x8e: {  	[smem:$0x3FC4] =	sst s2  }
0x8f: {  	_ = 	snop  }
0x90: {  	s2 =	sld [smem:$0x3FC9]  }
0x91: {  	s18 =	sld [smem:$0x3FC8]  }
0x92: {  	s4 =	sld [smem:$0x3FC7];
	(tm) =	ssettm $0x1  }
0x93: {  	s5 =	sld [smem:$0x3FFB];
	_ =	sdelay $0x3  }
0x94: {  	_ =	strace s5  }
0x95: {  	s5 =	sld [smem:$0x3FFC];
	_ =	sdelay $0x3  }
0x96: {  	_ =	strace s5  }
0x97: {  	s5 =	sld [smem:$0x3FFD];
	_ =	sdelay $0x3  }
0x98: {  	_ =	strace s5  }
0x99: {  	_ =	strace $0x8FFFFFFF  }
0x9a: {  	s19 =	sld [smem:$0x3FDB];
	_ =	sdelay $0x1  }
0x9b: {  	s6 =	simm.s32 $_scs_section_size  }
0x9c: {  	s7 =	simm.s32 $_size__tile_overlayer_lowered;
	s8 =	simm.s32 $_tile_overlayer_lowered  }
0x9d: {  	s22 =	simm.s32 $0x1BFF;
	s21 =	sshll.u32 s8, $0x1;
	s5 =	sadd.s32 s6, s19  }
0x9e: {  	s9 =	simm.s32 $0x0;
	s20 =	sshll.u32 s7, $0x1;
	s7 =	sadd.s32 s21, s5  }
0x9f: {  	[timem:s9], [sflag:s22] =	dma.local [hbm:s7], s20  }
0xa0: {  	_ =	swait.ge [sflag:s22], s20  }
0xa1: {  	s6 =	ssub.s32 $0x0, s20;
	[sflag:s22] =	ssyncset.done $0x0  }
0xa2: {  	[sflag:s22] =	ssyncadd.s32 s6;
	_ =	sdelay $0x1  }
0xa3: {  	s23 =	simm.s32 $0x1B8B  }
0xa4: {  	_ =	swait.ge [sflag:s23], $0x1  }
0xa5: {  	[sflag:s23] =	ssyncset.done $0x0  }
0xa6: {  	s25 =	simm.s32 $0x1B8E;
	s24 =	sld [smem:$0x3FFE];
	[sflag:s23] =	ssyncadd.s32 $0xFFFFFFFF  }
0xa7: {  	s26 =	simm.s32 $execute0_lowered;
	[smem:$0x3FD2] =	sst s25  }
0xa8: {  	s7 =	sshll.u32 s26, $0x1;
	_ =	strace $0x80000046;
	[dreg:$0x1] =	wrdreg $0xFFFFFFFF  }
0xa9: {  	s28 =	simm.s32 $_size_execute0_lowered;
	s5 =	sadd.s32 s5, s7;
	[dreg:$0x0] =	wrdreg $0x0  }
0xaa: {  	s7 =	sshll.u32 s28, $0x1;
	[dreg:$0x2] =	wrdreg s5  }
0xab: {  	[dreg:$0x3] =	wrdreg s7  }
0xac: {  	[dreg:$0x4] =	wrdreg $0xC0  }
0xad: {  	_ =	task [dreg:s9], $0x5FFFF  }
0xae: {  	[dreg:$0x1] =	wrdreg $0xFFFFFFFF  }
0xaf: {  	[dreg:$0x0] =	wrdreg $0x60  }
0xb0: {  	[dreg:$0x2] =	wrdreg s2  }
0xb1: {  	[dreg:$0x3] =	wrdreg s18  }
0xb2: {  	[dreg:$0x4] =	wrdreg s4  }
0xb3: {  	[dreg:$0x5] =	wrdreg s24  }
0xb4: {  	[dreg:$0x6] =	wrdreg $0x9  }
0xb5: {  	_ =	task.clear_ibuf [dreg:s9], $0x7FFFF;
	_ =	strace $0x90000046  }
0xb6: {  	s29 =	simm.s32 $0x9;
	_ =	strace $0x80000048  }
0xb7: {  	_ =	swait.ge [sflag:s29], $0x1  }
0xb8: {  	[sflag:s29] =	ssyncadd.s32 $0xFFFFFFFF  }
0xb9: {  	_ =	strace $0x90000048  }
0xba: {  	_ =	sfence  }
0xbb: {  	s30 =	sld [smem:$0x0];
	_ =	sdelay $0x2  }
0xbc: {  	s31 =	sshll.u32 s1, $0xD;
	s1 =	sshrl.u32 s1, $0x2  }
0xbd: {  	s3 =	sand.u32 $0x4000, s31;
	s1 =	sadd.s32 s1, s30  }
0xbe: {  	s0 =	sor.u32 s3, s0;
	s1 =	sshll.u32 s1, $0x11  }
0xbf: {  	s0 =	sor.u32 s1, s0  }
0xc0: {  	s0 =	sadd.s32 $0x8F2B, s0  }
0xc1: {  	[sflag:s0] =	ssyncadd.remote.s32 $0x1  }
0xc2: {  	_ =	sfence.sel $0xFFFF  }
0xc3: {  	[dreg:$0x0] =	wrdreg $0xFFFFFFFF;
	(pc) =	sbr.abs _section_cstart, $3  }
0xc4: {  	[dreg:$0x1] =	wrdreg $0xFFFFFFFF  }
0xc5: {  	_ =	task.clear_ibuf [dreg:s9], $0x2FFFF;
	_ =	strace $0x9FFFFFFF  }
0xc6: {  	(tm) =	ssettm $0x7FFFFFFF  }
0xc7: {  	_ =	shalt  }
tec
execute0_lowered:
.L_overlay_start_1:
0x0: {  	(tag) =	ssettag $0x1  }
0x1: {  	s3 =	rddreg [dreg:$0x0]  }
0x2: {  	s4 =	rddreg [dreg:$0x1]  }
0x3: {  	s0 =	srdreg.scid;
	s5 =	rddreg [dreg:$0x2]  }
0x4: {  	s7 =	rddreg [dreg:$0x3];
	s1 =	stileid.u32  }
0x5: {  	s2 =	simm.s32 $0x0;
	s11 =	simm.s32 $0x4800;
	s12 =	simm.s32 $0x1  }
0x6: {  	s13 =	simm.s32 $0x4880;
	s14 =	simm.s32 $0x2;
	s6 =	sand.u32 $0x1, s0  }
0x7: {  	s15 =	simm.s32 $0x0;
	s0 =	rddreg [dreg:$0x4];
	s8 =	sshll.u32 s6, $0x4  }
0x8: {  	[smem:$0x7FF] =	sst s2;
	s6 =	ssub.s32 $0x2, s6;
	s8 =	sor.u32 s1, s8  }
0x9: {  	_ =	strace $0x80000047;
	s30 =	sshrl.u32 s6, $0x1;
	s9 =	smul.u32 $0x180, s8  }
0xa: {  	s10 =	sshll.u32 s8, $0x7;
	s31 =	sshll.u32 s8, $0x4;
	s8 =	simm.s32 $0x400  }
0xb: {  	s3 =	sadd.s32 s3, s10;
	s4 =	sadd.s32 s4, s10;
	s5 =	sadd.s32 s5, s31  }
0xc: {  	s10 =	simm.s32 $0x4000;
	s7 =	sadd.s32 s9, s7;
	s9 =	ssub.s32 s6, s30  }
0xd: {  	v0 =	vimm.f32 $0.0e+00;
	s6 =	sadd.s32 $0xA00, s7;
	s7 =	smax.u32 s9, $0x1;
	s9 =	simm.s32 $0x8000  }
.LBB2_1:
0xe: {  	[tilespmem:s2], [sflag:$0x1] =	stream.strided.gather [hbm4b:s3+s8], $0x4000, s9, s8, $0x38;
	[tilespmem:$0x5480] =	vst v63  }
0xf: {  	_ = 	snop  }
0x10: {  	[tilespmem:s10], [sflag:$0x1] =	stream.strided.gather [hbm4b:s4+s8], $0x800, s9, s8, $0x38;
	[tilespmem:$0x5480] =	vst v63  }
0x11: {  	s16 =	simm.s32 $0x40;
	s17 =	simm.s32 $0x0  }
0x12: {  	[tilespmem:s11], [sflag:$0x1] =	stream.linear.gather [hbm4b:s5+s2], $0x80, $0x38;
	[tilespmem:$0x5480] =	vst v63  }
.LBB2_2:
0x13: {  	p0 =	sne.s32 s16, $0x2FC0;
	[tilespmem:s17+$0x4880] =	vst v0;
	s17 =	smov.u32 s16;
	s16 =	sadd.s32 $0x40, s16  }
.Ltmp0:
0x14: {  	(pc) =	sbr.rel @p0 .LBB2_2-.Ltmp0, $2  }
0x15: {  	_ =	sdelay $0x2  }
0x16: {  	s17 =	sshra.s32 s17, $0x2  }
0x17: {  	[tilespmem:s17+$0x4880] =	vst v0  }
0x18: {  	_ =	swait.ge [sflag:s12], $0x4000  }
0x19: {  	[sflag:s12] =	ssyncset.done $0x0  }
0x1a: {  	[sflag:s12] =	ssyncadd.s32 $0xFFFFC000  }
0x1b: {  	_ =	swait.ge [sflag:s12], $0x800  }
0x1c: {  	[sflag:s12] =	ssyncset.done $0x0  }
0x1d: {  	[sflag:s12] =	ssyncadd.s32 $0xFFFFF800  }
0x1e: {  	_ =	swait.ge [sflag:s12], $0x80  }
0x1f: {  	[sflag:s12] =	ssyncset.done $0x0  }
0x20: {  	s16 =	simm.s32 $0x0;
	[sflag:s12] =	ssyncadd.s32 $0xFFFFFF80  }
.LBB2_4:
0x21: {  	s17 =	sshll.u32 s16, $0x4  }
0x22: {  	v2 =	vld [tilespmem:s17+$0x4000]  }
0x23: {  	v3 =	vld [tilespmem:s17+$0x4080];
	_ =	sdelay $0x1  }
0x24: {  	v1 =	vld [tilespmem:s17+$0x4800]  }
0x25: {  	v4 =	vld [tilespmem:s17+$0x0]  }
0x26: {  	v5 =	vld [tilespmem:s17+$0x800]  }
0x27: {  	v6 =	vld [tilespmem:s17+$0x1000];
	vm0 =	vne.s32 v2, v3  }
0x28: {  	v7 =	vld [tilespmem:s17+$0x1800]  }
0x29: {  	v8 =	vld [tilespmem:s17+$0x2000];
	v9 =	vadd.s32 $0x180, v2  }
0x2a: {  	v10 =	vld [tilespmem:s17+$0x2800];
	v11 =	vadd.s32 $0x300, v2  }
0x2b: {  	v12 =	vld [tilespmem:s17+$0x3000];
	v4 =	vmul.f32 v4, v1;
	v13 =	vadd.s32 $0x480, v2  }
0x2c: {  	v14 =	vld [tilespmem:s17+$0x3800];
	v5 =	vmul.f32 v5, v1;
	v15 =	vadd.s32 $0x600, v2  }
0x2d: {  	v6 =	vmul.f32 v6, v1;
	v27 =	vadd.s32 $0x780, v2;
	[tilespmem:v2+s13+$0x0] =	vst.idx.add.f32.msk vm0, v4  }
0x2e: {  	v7 =	vmul.f32 v7, v1;
	v28 =	vadd.s32 $0x900, v2;
	[tilespmem:v9+s13+$0x0] =	vst.idx.add.f32.msk vm0, v5  }
0x2f: {  	v8 =	vmul.f32 v8, v1;
	v2 =	vadd.s32 $0xA80, v2;
	[tilespmem:v11+s13+$0x0] =	vst.idx.add.f32.msk vm0, v6  }
0x30: {  	v29 =	vmul.f32 v10, v1;
	[tilespmem:v13+s13+$0x0] =	vst.idx.add.f32.msk vm0, v7  }
0x31: {  	v30 =	vmul.f32 v12, v1;
	[tilespmem:v15+s13+$0x0] =	vst.idx.add.f32.msk vm0, v8  }
0x32: {  	v31 =	vmul.f32 v14, v1;
	[tilespmem:v27+s13+$0x0] =	vst.idx.add.f32.msk vm0, v29  }
0x33: {  	[tilespmem:v28+s13+$0x0] =	vst.idx.add.f32.msk vm0, v30  }
0x34: {  	[tilespmem:v2+s13+$0x0] =	vst.idx.add.f32.msk vm0, v31  }
0x35: {  	v2 =	vld [tilespmem:s17+$0x4100];
	_ =	sdelay $0x1  }
0x36: {  	s18 =	sor.u32 $0x80, s17  }
0x37: {  	v4 =	vld [tilespmem:s18+$0x0]  }
0x38: {  	v5 =	vld [tilespmem:s17+$0x880]  }
0x39: {  	v6 =	vld [tilespmem:s17+$0x1080];
	vm11 =	vne.s32 v3, v2  }
0x3a: {  	v7 =	vld [tilespmem:s17+$0x1880]  }
0x3b: {  	v32 =	vadd.s32 $0x180, v3;
	v8 =	vld [tilespmem:s17+$0x2080]  }
0x3c: {  	v34 =	vadd.s32 $0x300, v3;
	v33 =	vld [tilespmem:s17+$0x2880]  }
0x3d: {  	v36 =	vadd.s32 $0x480, v3;
	v35 =	vld [tilespmem:s17+$0x3080];
	v4 =	vmul.f32 v4, v1  }
0x3e: {  	v38 =	vadd.s32 $0x600, v3;
	v37 =	vld [tilespmem:s17+$0x3880];
	v5 =	vmul.f32 v5, v1  }
0x3f: {  	v39 =	vadd.s32 $0x780, v3;
	v6 =	vmul.f32 v6, v1;
	[tilespmem:v3+s13+$0x0] =	vst.idx.add.f32.msk vm11, v4  }
0x40: {  	v40 =	vadd.s32 $0x900, v3;
	v7 =	vmul.f32 v7, v1;
	[tilespmem:v32+s13+$0x0] =	vst.idx.add.f32.msk vm11, v5  }
0x41: {  	v8 =	vmul.f32 v8, v1;
	v3 =	vadd.s32 $0xA80, v3;
	[tilespmem:v34+s13+$0x0] =	vst.idx.add.f32.msk vm11, v6  }
0x42: {  	v41 =	vmul.f32 v33, v1;
	[tilespmem:v36+s13+$0x0] =	vst.idx.add.f32.msk vm11, v7  }
0x43: {  	v42 =	vmul.f32 v35, v1;
	[tilespmem:v38+s13+$0x0] =	vst.idx.add.f32.msk vm11, v8  }
0x44: {  	v43 =	vmul.f32 v37, v1;
	[tilespmem:v39+s13+$0x0] =	vst.idx.add.f32.msk vm11, v41  }
0x45: {  	[tilespmem:v40+s13+$0x0] =	vst.idx.add.f32.msk vm11, v42  }
0x46: {  	[tilespmem:v3+s13+$0x0] =	vst.idx.add.f32.msk vm11, v43  }
0x47: {  	v3 =	vld [tilespmem:s17+$0x4180];
	_ =	sdelay $0x1  }
0x48: {  	s24 =	sor.u32 $0x100, s17  }
0x49: {  	v4 =	vld [tilespmem:s24+$0x0]  }
0x4a: {  	v5 =	vld [tilespmem:s17+$0x900]  }
0x4b: {  	v6 =	vld [tilespmem:s17+$0x1100];
	vm12 =	vne.s32 v2, v3  }
0x4c: {  	v7 =	vld [tilespmem:s17+$0x1900]  }
0x4d: {  	v44 =	vadd.s32 $0x180, v2;
	v8 =	vld [tilespmem:s17+$0x2100]  }
0x4e: {  	v46 =	vadd.s32 $0x300, v2;
	v45 =	vld [tilespmem:s17+$0x2900]  }
0x4f: {  	v48 =	vadd.s32 $0x480, v2;
	v47 =	vld [tilespmem:s17+$0x3100];
	v4 =	vmul.f32 v4, v1  }
0x50: {  	v50 =	vadd.s32 $0x600, v2;
	v49 =	vld [tilespmem:s17+$0x3900];
	v5 =	vmul.f32 v5, v1  }
0x51: {  	v51 =	vadd.s32 $0x780, v2;
	v6 =	vmul.f32 v6, v1;
	[tilespmem:v2+s13+$0x0] =	vst.idx.add.f32.msk vm12, v4  }
0x52: {  	v52 =	vadd.s32 $0x900, v2;
	v7 =	vmul.f32 v7, v1;
	[tilespmem:v44+s13+$0x0] =	vst.idx.add.f32.msk vm12, v5  }
0x53: {  	v8 =	vmul.f32 v8, v1;
	v2 =	vadd.s32 $0xA80, v2;
	[tilespmem:v46+s13+$0x0] =	vst.idx.add.f32.msk vm12, v6  }
0x54: {  	v53 =	vmul.f32 v45, v1;
	[tilespmem:v48+s13+$0x0] =	vst.idx.add.f32.msk vm12, v7  }
0x55: {  	v54 =	vmul.f32 v47, v1;
	[tilespmem:v50+s13+$0x0] =	vst.idx.add.f32.msk vm12, v8  }
0x56: {  	v55 =	vmul.f32 v49, v1;
	[tilespmem:v51+s13+$0x0] =	vst.idx.add.f32.msk vm12, v53  }
0x57: {  	[tilespmem:v52+s13+$0x0] =	vst.idx.add.f32.msk vm12, v54  }
0x58: {  	[tilespmem:v2+s13+$0x0] =	vst.idx.add.f32.msk vm12, v55  }
0x59: {  	v2 =	vld [tilespmem:s17+$0x4200];
	_ =	sdelay $0x1  }
0x5a: {  	s25 =	sor.u32 $0x180, s17  }
0x5b: {  	v4 =	vld [tilespmem:s25+$0x0]  }
0x5c: {  	v5 =	vld [tilespmem:s17+$0x980]  }
0x5d: {  	v6 =	vld [tilespmem:s17+$0x1180];
	vm13 =	vne.s32 v3, v2  }
0x5e: {  	v7 =	vld [tilespmem:s17+$0x1980]  }
0x5f: {  	v56 =	vadd.s32 $0x180, v3;
	v8 =	vld [tilespmem:s17+$0x2180]  }
0x60: {  	v58 =	vadd.s32 $0x300, v3;
	v57 =	vld [tilespmem:s17+$0x2980]  }
0x61: {  	v60 =	vadd.s32 $0x480, v3;
	v59 =	vld [tilespmem:s17+$0x3180];
	v4 =	vmul.f32 v4, v1  }
0x62: {  	v62 =	vadd.s32 $0x600, v3;
	v61 =	vld [tilespmem:s17+$0x3980];
	v5 =	vmul.f32 v5, v1  }
0x63: {  	v63 =	vadd.s32 $0x780, v3;
	v6 =	vmul.f32 v6, v1;
	[tilespmem:v3+s13+$0x0] =	vst.idx.add.f32.msk vm13, v4  }
0x64: {  	v16 =	vadd.s32 $0x900, v3;
	v7 =	vmul.f32 v7, v1;
	[tilespmem:v56+s13+$0x0] =	vst.idx.add.f32.msk vm13, v5  }
0x65: {  	v8 =	vmul.f32 v8, v1;
	v3 =	vadd.s32 $0xA80, v3;
	[tilespmem:v58+s13+$0x0] =	vst.idx.add.f32.msk vm13, v6  }
0x66: {  	v17 =	vmul.f32 v57, v1;
	[tilespmem:v60+s13+$0x0] =	vst.idx.add.f32.msk vm13, v7  }
0x67: {  	v18 =	vmul.f32 v59, v1;
	[tilespmem:v62+s13+$0x0] =	vst.idx.add.f32.msk vm13, v8  }
0x68: {  	v19 =	vmul.f32 v61, v1;
	[tilespmem:v63+s13+$0x0] =	vst.idx.add.f32.msk vm13, v17  }
0x69: {  	[tilespmem:v16+s13+$0x0] =	vst.idx.add.f32.msk vm13, v18  }
0x6a: {  	[tilespmem:v3+s13+$0x0] =	vst.idx.add.f32.msk vm13, v19  }
0x6b: {  	v3 =	vld [tilespmem:s17+$0x4280];
	_ =	sdelay $0x1  }
0x6c: {  	s26 =	sor.u32 $0x200, s17  }
0x6d: {  	v4 =	vld [tilespmem:s26+$0x0]  }
0x6e: {  	v5 =	vld [tilespmem:s17+$0xA00]  }
0x6f: {  	v6 =	vld [tilespmem:s17+$0x1200];
	vm14 =	vne.s32 v2, v3  }
0x70: {  	v7 =	vld [tilespmem:s17+$0x1A00]  }
0x71: {  	v20 =	vadd.s32 $0x180, v2;
	v8 =	vld [tilespmem:s17+$0x2200]  }
0x72: {  	v22 =	vadd.s32 $0x300, v2;
	v21 =	vld [tilespmem:s17+$0x2A00]  }
0x73: {  	v24 =	vadd.s32 $0x480, v2;
	v23 =	vld [tilespmem:s17+$0x3200];
	v4 =	vmul.f32 v4, v1  }
0x74: {  	v26 =	vadd.s32 $0x600, v2;
	v25 =	vld [tilespmem:s17+$0x3A00];
	v5 =	vmul.f32 v5, v1  }
0x75: {  	v27 =	vadd.s32 $0x780, v2;
	v6 =	vmul.f32 v6, v1;
	[tilespmem:v2+s13+$0x0] =	vst.idx.add.f32.msk vm14, v4  }
0x76: {  	v28 =	vadd.s32 $0x900, v2;
	v7 =	vmul.f32 v7, v1;
	[tilespmem:v20+s13+$0x0] =	vst.idx.add.f32.msk vm14, v5  }
0x77: {  	v8 =	vmul.f32 v8, v1;
	v2 =	vadd.s32 $0xA80, v2;
	[tilespmem:v22+s13+$0x0] =	vst.idx.add.f32.msk vm14, v6  }
0x78: {  	v29 =	vmul.f32 v21, v1;
	[tilespmem:v24+s13+$0x0] =	vst.idx.add.f32.msk vm14, v7  }
0x79: {  	v30 =	vmul.f32 v23, v1;
	[tilespmem:v26+s13+$0x0] =	vst.idx.add.f32.msk vm14, v8  }
0x7a: {  	v31 =	vmul.f32 v25, v1;
	[tilespmem:v27+s13+$0x0] =	vst.idx.add.f32.msk vm14, v29  }
0x7b: {  	[tilespmem:v28+s13+$0x0] =	vst.idx.add.f32.msk vm14, v30  }
0x7c: {  	[tilespmem:v2+s13+$0x0] =	vst.idx.add.f32.msk vm14, v31  }
0x7d: {  	v2 =	vld [tilespmem:s17+$0x4300];
	_ =	sdelay $0x1  }
0x7e: {  	s28 =	sor.u32 $0x280, s17  }
0x7f: {  	v4 =	vld [tilespmem:s28+$0x0]  }
0x80: {  	v5 =	vld [tilespmem:s17+$0xA80]  }
0x81: {  	v6 =	vld [tilespmem:s17+$0x1280];
	vm15 =	vne.s32 v3, v2  }
0x82: {  	v7 =	vld [tilespmem:s17+$0x1A80]  }
0x83: {  	v32 =	vadd.s32 $0x180, v3;
	v8 =	vld [tilespmem:s17+$0x2280]  }
0x84: {  	v34 =	vadd.s32 $0x300, v3;
	v33 =	vld [tilespmem:s17+$0x2A80]  }
0x85: {  	v36 =	vadd.s32 $0x480, v3;
	v35 =	vld [tilespmem:s17+$0x3280];
	v4 =	vmul.f32 v4, v1  }
0x86: {  	v38 =	vadd.s32 $0x600, v3;
	v37 =	vld [tilespmem:s17+$0x3A80];
	v5 =	vmul.f32 v5, v1  }
0x87: {  	v39 =	vadd.s32 $0x780, v3;
	v6 =	vmul.f32 v6, v1;
	[tilespmem:v3+s13+$0x0] =	vst.idx.add.f32.msk vm15, v4  }
0x88: {  	v40 =	vadd.s32 $0x900, v3;
	v7 =	vmul.f32 v7, v1;
	[tilespmem:v32+s13+$0x0] =	vst.idx.add.f32.msk vm15, v5  }
0x89: {  	v8 =	vmul.f32 v8, v1;
	v3 =	vadd.s32 $0xA80, v3;
	[tilespmem:v34+s13+$0x0] =	vst.idx.add.f32.msk vm15, v6  }
0x8a: {  	v41 =	vmul.f32 v33, v1;
	[tilespmem:v36+s13+$0x0] =	vst.idx.add.f32.msk vm15, v7  }
0x8b: {  	v42 =	vmul.f32 v35, v1;
	[tilespmem:v38+s13+$0x0] =	vst.idx.add.f32.msk vm15, v8  }
0x8c: {  	v43 =	vmul.f32 v37, v1;
	[tilespmem:v39+s13+$0x0] =	vst.idx.add.f32.msk vm15, v41  }
0x8d: {  	[tilespmem:v40+s13+$0x0] =	vst.idx.add.f32.msk vm15, v42  }
0x8e: {  	[tilespmem:v3+s13+$0x0] =	vst.idx.add.f32.msk vm15, v43  }
0x8f: {  	v3 =	vld [tilespmem:s17+$0x4380];
	_ =	sdelay $0x1  }
0x90: {  	s29 =	sor.u32 $0x300, s17  }
0x91: {  	v4 =	vld [tilespmem:s29+$0x0]  }
0x92: {  	v5 =	vld [tilespmem:s17+$0xB00]  }
0x93: {  	v6 =	vld [tilespmem:s17+$0x1300];
	vm4 =	vne.s32 v2, v3  }
0x94: {  	v7 =	vld [tilespmem:s17+$0x1B00]  }
0x95: {  	v44 =	vadd.s32 $0x180, v2;
	v8 =	vld [tilespmem:s17+$0x2300]  }
0x96: {  	v46 =	vadd.s32 $0x300, v2;
	v45 =	vld [tilespmem:s17+$0x2B00]  }
0x97: {  	v48 =	vadd.s32 $0x480, v2;
	v47 =	vld [tilespmem:s17+$0x3300];
	v4 =	vmul.f32 v4, v1  }
0x98: {  	v50 =	vadd.s32 $0x600, v2;
	v49 =	vld [tilespmem:s17+$0x3B00];
	v5 =	vmul.f32 v5, v1  }
0x99: {  	v51 =	vadd.s32 $0x780, v2;
	v6 =	vmul.f32 v6, v1;
	[tilespmem:v2+s13+$0x0] =	vst.idx.add.f32.msk vm4, v4  }
0x9a: {  	v52 =	vadd.s32 $0x900, v2;
	v7 =	vmul.f32 v7, v1;
	[tilespmem:v44+s13+$0x0] =	vst.idx.add.f32.msk vm4, v5  }
0x9b: {  	v8 =	vmul.f32 v8, v1;
	v2 =	vadd.s32 $0xA80, v2;
	[tilespmem:v46+s13+$0x0] =	vst.idx.add.f32.msk vm4, v6  }
0x9c: {  	v53 =	vmul.f32 v45, v1;
	[tilespmem:v48+s13+$0x0] =	vst.idx.add.f32.msk vm4, v7  }
0x9d: {  	v54 =	vmul.f32 v47, v1;
	[tilespmem:v50+s13+$0x0] =	vst.idx.add.f32.msk vm4, v8  }
0x9e: {  	v55 =	vmul.f32 v49, v1;
	[tilespmem:v51+s13+$0x0] =	vst.idx.add.f32.msk vm4, v53  }
0x9f: {  	[tilespmem:v52+s13+$0x0] =	vst.idx.add.f32.msk vm4, v54  }
0xa0: {  	[tilespmem:v2+s13+$0x0] =	vst.idx.add.f32.msk vm4, v55  }
0xa1: {  	s30 =	sor.u32 $0x380, s17;
	v2 =	vld [tilespmem:s17+$0x4400]  }
0xa2: {  	v4 =	vld [tilespmem:s30+$0x0]  }
0xa3: {  	v5 =	vld [tilespmem:s17+$0xB80]  }
0xa4: {  	v6 =	vld [tilespmem:s17+$0x1380]  }
0xa5: {  	v57 =	vld [tilespmem:s17+$0x2B80]  }
0xa6: {  	v59 =	vld [tilespmem:s17+$0x3380]  }
0xa7: {  	v61 =	vld [tilespmem:s17+$0x3B80];
	vm5 =	vne.s32 v3, v2  }
0xa8: {  	v7 =	vld [tilespmem:s17+$0x1B80]  }
0xa9: {  	s22 =	sor.u32 $0x10, s17;
	v56 =	vadd.s32 $0x180, v3;
	v8 =	vld [tilespmem:s17+$0x2380]  }
0xaa: {  	v58 =	vadd.s32 $0x300, v3;
	v17 =	vmul.f32 v57, v1;
	v57 =	vld [tilespmem:s22+$0x0]  }
0xab: {  	v60 =	vadd.s32 $0x480, v3;
	v4 =	vmul.f32 v4, v1;
	v18 =	vmul.f32 v59, v1;
	v59 =	vld [tilespmem:s17+$0x1010]  }
0xac: {  	v62 =	vadd.s32 $0x600, v3;
	v5 =	vmul.f32 v5, v1;
	v19 =	vmul.f32 v61, v1;
	v61 =	vld [tilespmem:s17+$0x2010]  }
0xad: {  	v63 =	vadd.s32 $0x780, v3;
	v6 =	vmul.f32 v6, v1;
	[tilespmem:v3+s13+$0x0] =	vst.idx.add.f32.msk vm5, v4  }
0xae: {  	v16 =	vadd.s32 $0x900, v3;
	v7 =	vmul.f32 v7, v1;
	[tilespmem:v56+s13+$0x0] =	vst.idx.add.f32.msk vm5, v5  }
0xaf: {  	v8 =	vmul.f32 v8, v1;
	v3 =	vadd.s32 $0xA80, v3;
	[tilespmem:v58+s13+$0x0] =	vst.idx.add.f32.msk vm5, v6  }
0xb0: {  	[tilespmem:v60+s13+$0x0] =	vst.idx.add.f32.msk vm5, v7  }
0xb1: {  	[tilespmem:v62+s13+$0x0] =	vst.idx.add.f32.msk vm5, v8  }
0xb2: {  	[tilespmem:v63+s13+$0x0] =	vst.idx.add.f32.msk vm5, v17  }
0xb3: {  	[tilespmem:v16+s13+$0x0] =	vst.idx.add.f32.msk vm5, v18  }
0xb4: {  	[tilespmem:v3+s13+$0x0] =	vst.idx.add.f32.msk vm5, v19  }
0xb5: {  	v3 =	vld [tilespmem:s17+$0x4480]  }
0xb6: {  	v56 =	vld [tilespmem:s17+$0x4010]  }
0xb7: {  	s31 =	sor.u32 $0x400, s17;
	v58 =	vld [tilespmem:s17+$0x810]  }
0xb8: {  	v4 =	vld [tilespmem:s31+$0x0]  }
0xb9: {  	v5 =	vld [tilespmem:s17+$0xC00]  }
0xba: {  	v6 =	vld [tilespmem:s17+$0x1400];
	vm6 =	vne.s32 v2, v3  }
0xbb: {  	v7 =	vld [tilespmem:s17+$0x1C00]  }
0xbc: {  	v20 =	vadd.s32 $0x180, v2;
	v8 =	vld [tilespmem:s17+$0x2400]  }
0xbd: {  	v22 =	vadd.s32 $0x300, v2;
	v21 =	vld [tilespmem:s17+$0x2C00]  }
0xbe: {  	v24 =	vadd.s32 $0x480, v2;
	v23 =	vld [tilespmem:s17+$0x3400];
	v4 =	vmul.f32 v4, v1  }
0xbf: {  	v26 =	vadd.s32 $0x600, v2;
	v25 =	vld [tilespmem:s17+$0x3C00];
	v5 =	vmul.f32 v5, v1  }
0xc0: {  	v27 =	vadd.s32 $0x780, v2;
	v6 =	vmul.f32 v6, v1;
	[tilespmem:v2+s13+$0x0] =	vst.idx.add.f32.msk vm6, v4  }
0xc1: {  	v28 =	vadd.s32 $0x900, v2;
	v7 =	vmul.f32 v7, v1;
	[tilespmem:v20+s13+$0x0] =	vst.idx.add.f32.msk vm6, v5  }
0xc2: {  	v8 =	vmul.f32 v8, v1;
	v2 =	vadd.s32 $0xA80, v2;
	[tilespmem:v22+s13+$0x0] =	vst.idx.add.f32.msk vm6, v6  }
0xc3: {  	v29 =	vmul.f32 v21, v1;
	[tilespmem:v24+s13+$0x0] =	vst.idx.add.f32.msk vm6, v7  }
0xc4: {  	v30 =	vmul.f32 v23, v1;
	[tilespmem:v26+s13+$0x0] =	vst.idx.add.f32.msk vm6, v8  }
0xc5: {  	v31 =	vmul.f32 v25, v1;
	[tilespmem:v27+s13+$0x0] =	vst.idx.add.f32.msk vm6, v29  }
0xc6: {  	[tilespmem:v28+s13+$0x0] =	vst.idx.add.f32.msk vm6, v30  }
0xc7: {  	[tilespmem:v2+s13+$0x0] =	vst.idx.add.f32.msk vm6, v31  }
0xc8: {  	v2 =	vld [tilespmem:s17+$0x4500]  }
0xc9: {  	v60 =	vld [tilespmem:s17+$0x1810]  }
0xca: {  	s19 =	sor.u32 $0x480, s17;
	v63 =	vld [tilespmem:s17+$0x2810]  }
0xcb: {  	v4 =	vld [tilespmem:s19+$0x0]  }
0xcc: {  	v5 =	vld [tilespmem:s17+$0xC80]  }
0xcd: {  	v6 =	vld [tilespmem:s17+$0x1480];
	vm7 =	vne.s32 v3, v2  }
0xce: {  	v7 =	vld [tilespmem:s17+$0x1C80]  }
0xcf: {  	v32 =	vadd.s32 $0x180, v3;
	v8 =	vld [tilespmem:s17+$0x2480]  }
0xd0: {  	v34 =	vadd.s32 $0x300, v3;
	v33 =	vld [tilespmem:s17+$0x2C80]  }
0xd1: {  	v36 =	vadd.s32 $0x480, v3;
	v35 =	vld [tilespmem:s17+$0x3480];
	v4 =	vmul.f32 v4, v1  }
0xd2: {  	v38 =	vadd.s32 $0x600, v3;
	v37 =	vld [tilespmem:s17+$0x3C80];
	v5 =	vmul.f32 v5, v1  }
0xd3: {  	v39 =	vadd.s32 $0x780, v3;
	v6 =	vmul.f32 v6, v1;
	[tilespmem:v3+s13+$0x0] =	vst.idx.add.f32.msk vm7, v4  }
0xd4: {  	v40 =	vadd.s32 $0x900, v3;
	v7 =	vmul.f32 v7, v1;
	[tilespmem:v32+s13+$0x0] =	vst.idx.add.f32.msk vm7, v5  }
0xd5: {  	v8 =	vmul.f32 v8, v1;
	v3 =	vadd.s32 $0xA80, v3;
	[tilespmem:v34+s13+$0x0] =	vst.idx.add.f32.msk vm7, v6  }
0xd6: {  	v41 =	vmul.f32 v33, v1;
	[tilespmem:v36+s13+$0x0] =	vst.idx.add.f32.msk vm7, v7  }
0xd7: {  	v42 =	vmul.f32 v35, v1;
	[tilespmem:v38+s13+$0x0] =	vst.idx.add.f32.msk vm7, v8  }
0xd8: {  	v43 =	vmul.f32 v37, v1;
	[tilespmem:v39+s13+$0x0] =	vst.idx.add.f32.msk vm7, v41  }
0xd9: {  	[tilespmem:v40+s13+$0x0] =	vst.idx.add.f32.msk vm7, v42  }
0xda: {  	[tilespmem:v3+s13+$0x0] =	vst.idx.add.f32.msk vm7, v43  }
0xdb: {  	v3 =	vld [tilespmem:s17+$0x4580]  }
0xdc: {  	v17 =	vld [tilespmem:s17+$0x3010]  }
0xdd: {  	s20 =	sor.u32 $0x500, s17;
	v19 =	vld [tilespmem:s17+$0x3810]  }
0xde: {  	v4 =	vld [tilespmem:s20+$0x0]  }
0xdf: {  	v5 =	vld [tilespmem:s17+$0xD00]  }
0xe0: {  	v6 =	vld [tilespmem:s17+$0x1500];
	vm8 =	vne.s32 v2, v3  }
0xe1: {  	v7 =	vld [tilespmem:s17+$0x1D00]  }
0xe2: {  	v44 =	vadd.s32 $0x180, v2;
	v8 =	vld [tilespmem:s17+$0x2500]  }
0xe3: {  	v46 =	vadd.s32 $0x300, v2;
	v45 =	vld [tilespmem:s17+$0x2D00]  }
0xe4: {  	v48 =	vadd.s32 $0x480, v2;
	v47 =	vld [tilespmem:s17+$0x3500];
	v4 =	vmul.f32 v4, v1  }
0xe5: {  	v49 =	vld [tilespmem:s17+$0x3D00];
	v5 =	vmul.f32 v5, v1  }
0xe6: {  	v50 =	vadd.s32 $0x600, v2;
	v6 =	vmul.f32 v6, v1;
	[tilespmem:v2+s13+$0x0] =	vst.idx.add.f32.msk vm8, v4  }
0xe7: {  	v51 =	vadd.s32 $0x780, v2;
	v7 =	vmul.f32 v7, v1;
	[tilespmem:v44+s13+$0x0] =	vst.idx.add.f32.msk vm8, v5  }
0xe8: {  	v52 =	vadd.s32 $0x900, v2;
	[tilespmem:v46+s13+$0x0] =	vst.idx.add.f32.msk vm8, v6  }
0xe9: {  	v8 =	vmul.f32 v8, v1;
	v2 =	vadd.s32 $0xA80, v2;
	[tilespmem:v48+s13+$0x0] =	vst.idx.add.f32.msk vm8, v7  }
0xea: {  	v53 =	vmul.f32 v45, v1;
	v7 =	vld [tilespmem:s17+$0x4090]  }
0xeb: {  	v54 =	vmul.f32 v47, v1;
	[tilespmem:v50+s13+$0x0] =	vst.idx.add.f32.msk vm8, v8  }
0xec: {  	v55 =	vmul.f32 v49, v1;
	[tilespmem:v51+s13+$0x0] =	vst.idx.add.f32.msk vm8, v53  }
0xed: {  	[tilespmem:v52+s13+$0x0] =	vst.idx.add.f32.msk vm8, v54  }
0xee: {  	[tilespmem:v2+s13+$0x0] =	vst.idx.add.f32.msk vm8, v55  }
0xef: {  	v2 =	vld [tilespmem:s17+$0x4810]  }
0xf0: {  	s21 =	sor.u32 $0x580, s17;
	v4 =	vld [tilespmem:s17+$0x4600]  }
0xf1: {  	v5 =	vld [tilespmem:s21+$0x0]  }
0xf2: {  	v8 =	vld [tilespmem:s17+$0xD80]  }
0xf3: {  	vm9 =	vne.s32 v56, v7;
	v28 =	vld [tilespmem:s17+$0x1580]  }
0xf4: {  	v29 =	vld [tilespmem:s17+$0x1D80]  }
0xf5: {  	v62 =	vadd.s32 $0x180, v56;
	v30 =	vld [tilespmem:s17+$0x2580]  }
0xf6: {  	v16 =	vadd.s32 $0x300, v56;
	v32 =	vld [tilespmem:s17+$0x2D80]  }
0xf7: {  	v18 =	vadd.s32 $0x480, v56;
	v34 =	vld [tilespmem:s17+$0x3580];
	v9 =	vmul.f32 v57, v2  }
0xf8: {  	v20 =	vadd.s32 $0x600, v56;
	v36 =	vld [tilespmem:s17+$0x3D80];
	v10 =	vmul.f32 v58, v2  }
0xf9: {  	v23 =	vadd.s32 $0x780, v56;
	v11 =	vmul.f32 v59, v2;
	vm10 =	vne.s32 v3, v4;
	[tilespmem:v56+s13+$0x0] =	vst.idx.add.f32.msk vm9, v9  }
0xfa: {  	v12 =	vmul.f32 v60, v2;
	[tilespmem:v62+s13+$0x0] =	vst.idx.add.f32.msk vm9, v10  }
0xfb: {  	v24 =	vadd.s32 $0x900, v56;
	v13 =	vmul.f32 v61, v2;
	[tilespmem:v16+s13+$0x0] =	vst.idx.add.f32.msk vm9, v11  }
0xfc: {  	v31 =	vadd.s32 $0x180, v3;
	v25 =	vmul.f32 v63, v2;
	[tilespmem:v18+s13+$0x0] =	vst.idx.add.f32.msk vm9, v12  }
0xfd: {  	v6 =	vadd.s32 $0xA80, v56;
	v5 =	vmul.f32 v5, v1;
	[tilespmem:v20+s13+$0x0] =	vst.idx.add.f32.msk vm9, v13  }
0xfe: {  	v26 =	vmul.f32 v17, v2;
	[tilespmem:v23+s13+$0x0] =	vst.idx.add.f32.msk vm9, v25  }
0xff: {  	v8 =	vmul.f32 v8, v1;
	[tilespmem:v3+s13+$0x0] =	vst.idx.add.f32.msk vm10, v5  }
0x100: {  	v27 =	vmul.f32 v19, v2;
	[tilespmem:v24+s13+$0x0] =	vst.idx.add.f32.msk vm9, v26  }
0x101: {  	[tilespmem:v31+s13+$0x0] =	vst.idx.add.f32.msk vm10, v8  }
0x102: {  	[tilespmem:v6+s13+$0x0] =	vst.idx.add.f32.msk vm9, v27  }
0x103: {  	s23 =	sor.u32 $0x90, s17;
	v43 =	vld [tilespmem:s17+$0x4110]  }
0x104: {  	v44 =	vld [tilespmem:s23+$0x0]  }
0x105: {  	v45 =	vld [tilespmem:s17+$0x890]  }
0x106: {  	v46 =	vld [tilespmem:s17+$0x1090]  }
0x107: {  	v33 =	vadd.s32 $0x300, v3;
	v47 =	vld [tilespmem:s17+$0x1890]  }
0x108: {  	v35 =	vadd.s32 $0x480, v3;
	v48 =	vld [tilespmem:s17+$0x2090]  }
0x109: {  	v37 =	vadd.s32 $0x600, v3;
	v50 =	vld [tilespmem:s17+$0x2890]  }
0x10a: {  	v38 =	vadd.s32 $0x780, v3;
	v6 =	vmul.f32 v28, v1;
	v52 =	vld [tilespmem:s17+$0x3090]  }
0x10b: {  	v39 =	vadd.s32 $0x900, v3;
	v9 =	vmul.f32 v29, v1;
	v54 =	vld [tilespmem:s17+$0x3890]  }
0x10c: {  	v10 =	vmul.f32 v30, v1;
	v3 =	vadd.s32 $0xA80, v3;
	[tilespmem:v33+s13+$0x0] =	vst.idx.add.f32.msk vm10, v6  }
0x10d: {  	v40 =	vmul.f32 v32, v1;
	[tilespmem:v35+s13+$0x0] =	vst.idx.add.f32.msk vm10, v9  }
0x10e: {  	v41 =	vmul.f32 v34, v1;
	[tilespmem:v37+s13+$0x0] =	vst.idx.add.f32.msk vm10, v10  }
0x10f: {  	v42 =	vmul.f32 v36, v1;
	[tilespmem:v38+s13+$0x0] =	vst.idx.add.f32.msk vm10, v40  }
0x110: {  	[tilespmem:v39+s13+$0x0] =	vst.idx.add.f32.msk vm10, v41  }
0x111: {  	[tilespmem:v3+s13+$0x0] =	vst.idx.add.f32.msk vm10, v42  }
0x112: {  	s24 =	sor.u32 $0x600, s17;
	v3 =	vld [tilespmem:s17+$0x4680]  }
0x113: {  	v61 =	vld [tilespmem:s24+$0x0]  }
0x114: {  	v62 =	vld [tilespmem:s17+$0xE00]  }
0x115: {  	vm11 =	vne.s32 v7, v43;
	v36 =	vld [tilespmem:s17+$0x1600]  }
0x116: {  	v37 =	vld [tilespmem:s17+$0x1E00]  }
0x117: {  	v49 =	vadd.s32 $0x180, v7;
	v38 =	vld [tilespmem:s17+$0x2600]  }
0x118: {  	v51 =	vadd.s32 $0x300, v7;
	v40 =	vld [tilespmem:s17+$0x2E00]  }
0x119: {  	v53 =	vadd.s32 $0x480, v7;
	v5 =	vmul.f32 v44, v2;
	v42 =	vld [tilespmem:s17+$0x3600]  }
0x11a: {  	v55 =	vadd.s32 $0x600, v7;
	v8 =	vmul.f32 v45, v2;
	v44 =	vld [tilespmem:s17+$0x3E00]  }
0x11b: {  	v56 =	vadd.s32 $0x780, v7;
	v9 =	vmul.f32 v46, v2;
	[tilespmem:v7+s13+$0x0] =	vst.idx.add.f32.msk vm11, v5  }
0x11c: {  	v57 =	vadd.s32 $0x900, v7;
	v10 =	vmul.f32 v47, v2;
	[tilespmem:v49+s13+$0x0] =	vst.idx.add.f32.msk vm11, v8  }
0x11d: {  	v11 =	vmul.f32 v48, v2;
	v7 =	vadd.s32 $0xA80, v7;
	[tilespmem:v51+s13+$0x0] =	vst.idx.add.f32.msk vm11, v9  }
0x11e: {  	v58 =	vmul.f32 v50, v2;
	[tilespmem:v53+s13+$0x0] =	vst.idx.add.f32.msk vm11, v10  }
0x11f: {  	v59 =	vmul.f32 v52, v2;
	[tilespmem:v55+s13+$0x0] =	vst.idx.add.f32.msk vm11, v11  }
0x120: {  	v60 =	vmul.f32 v54, v2;
	[tilespmem:v56+s13+$0x0] =	vst.idx.add.f32.msk vm11, v58  }
0x121: {  	[tilespmem:v57+s13+$0x0] =	vst.idx.add.f32.msk vm11, v59  }
0x122: {  	[tilespmem:v7+s13+$0x0] =	vst.idx.add.f32.msk vm11, v60  }
0x123: {  	s25 =	sor.u32 $0x110, s17;
	v5 =	vld [tilespmem:s17+$0x4190]  }
0x124: {  	v9 =	vld [tilespmem:s25+$0x0]  }
0x125: {  	v10 =	vld [tilespmem:s17+$0x910]  }
0x126: {  	vm13 =	vne.s32 v4, v3;
	v11 =	vld [tilespmem:s17+$0x1110]  }
0x127: {  	v12 =	vld [tilespmem:s17+$0x1910]  }
0x128: {  	v39 =	vadd.s32 $0x180, v4;
	v63 =	vld [tilespmem:s17+$0x2110];
	vm12 =	vne.s32 v43, v5  }
0x129: {  	v25 =	vld [tilespmem:s17+$0x2910]  }
0x12a: {  	v24 =	vadd.s32 $0x180, v43;
	v7 =	vmul.f32 v61, v1;
	v27 =	vld [tilespmem:s17+$0x3110]  }
0x12b: {  	v26 =	vadd.s32 $0x300, v43;
	v8 =	vmul.f32 v62, v1;
	v29 =	vld [tilespmem:s17+$0x3910]  }
0x12c: {  	v28 =	vadd.s32 $0x480, v43;
	[tilespmem:v4+s13+$0x0] =	vst.idx.add.f32.msk vm13, v7;
	v9 =	vmul.f32 v9, v2  }
0x12d: {  	v30 =	vadd.s32 $0x600, v43;
	[tilespmem:v39+s13+$0x0] =	vst.idx.add.f32.msk vm13, v8;
	v10 =	vmul.f32 v10, v2  }
0x12e: {  	v31 =	vadd.s32 $0x780, v43;
	v11 =	vmul.f32 v11, v2;
	[tilespmem:v43+s13+$0x0] =	vst.idx.add.f32.msk vm12, v9  }
0x12f: {  	v32 =	vadd.s32 $0x900, v43;
	v12 =	vmul.f32 v12, v2;
	[tilespmem:v24+s13+$0x0] =	vst.idx.add.f32.msk vm12, v10  }
0x130: {  	v6 =	vadd.s32 $0xA80, v43;
	v13 =	vmul.f32 v63, v2;
	[tilespmem:v26+s13+$0x0] =	vst.idx.add.f32.msk vm12, v11  }
0x131: {  	v33 =	vmul.f32 v25, v2;
	[tilespmem:v28+s13+$0x0] =	vst.idx.add.f32.msk vm12, v12  }
0x132: {  	v34 =	vmul.f32 v27, v2;
	[tilespmem:v30+s13+$0x0] =	vst.idx.add.f32.msk vm12, v13  }
0x133: {  	v35 =	vmul.f32 v29, v2;
	[tilespmem:v31+s13+$0x0] =	vst.idx.add.f32.msk vm12, v33  }
0x134: {  	[tilespmem:v32+s13+$0x0] =	vst.idx.add.f32.msk vm12, v34  }
0x135: {  	[tilespmem:v6+s13+$0x0] =	vst.idx.add.f32.msk vm12, v35  }
0x136: {  	s26 =	sor.u32 $0x190, s17;
	v51 =	vld [tilespmem:s17+$0x4210]  }
0x137: {  	v52 =	vld [tilespmem:s26+$0x0]  }
0x138: {  	v53 =	vld [tilespmem:s17+$0x990]  }
0x139: {  	v54 =	vld [tilespmem:s17+$0x1190]  }
0x13a: {  	v41 =	vadd.s32 $0x300, v4;
	v55 =	vld [tilespmem:s17+$0x1990]  }
0x13b: {  	v43 =	vadd.s32 $0x480, v4;
	v56 =	vld [tilespmem:s17+$0x2190]  }
0x13c: {  	v45 =	vadd.s32 $0x600, v4;
	v58 =	vld [tilespmem:s17+$0x2990]  }
0x13d: {  	v46 =	vadd.s32 $0x780, v4;
	v6 =	vmul.f32 v36, v1;
	v60 =	vld [tilespmem:s17+$0x3190]  }
0x13e: {  	v47 =	vadd.s32 $0x900, v4;
	v9 =	vmul.f32 v37, v1;
	v62 =	vld [tilespmem:s17+$0x3990]  }
0x13f: {  	v4 =	vadd.s32 $0xA80, v4;
	v10 =	vmul.f32 v38, v1;
	[tilespmem:v41+s13+$0x0] =	vst.idx.add.f32.msk vm13, v6  }
0x140: {  	v48 =	vmul.f32 v40, v1;
	[tilespmem:v43+s13+$0x0] =	vst.idx.add.f32.msk vm13, v9  }
0x141: {  	v49 =	vmul.f32 v42, v1;
	[tilespmem:v45+s13+$0x0] =	vst.idx.add.f32.msk vm13, v10  }
0x142: {  	v50 =	vmul.f32 v44, v1;
	[tilespmem:v46+s13+$0x0] =	vst.idx.add.f32.msk vm13, v48  }
0x143: {  	[tilespmem:v47+s13+$0x0] =	vst.idx.add.f32.msk vm13, v49  }
0x144: {  	[tilespmem:v4+s13+$0x0] =	vst.idx.add.f32.msk vm13, v50  }
0x145: {  	s28 =	sor.u32 $0x680, s17;
	v4 =	vld [tilespmem:s17+$0x4700]  }
0x146: {  	v24 =	vld [tilespmem:s28+$0x0]  }
0x147: {  	v25 =	vld [tilespmem:s17+$0xE80]  }
0x148: {  	vm14 =	vne.s32 v5, v51;
	v39 =	vld [tilespmem:s17+$0x1680]  }
0x149: {  	v40 =	vld [tilespmem:s17+$0x1E80]  }
0x14a: {  	v57 =	vadd.s32 $0x180, v5;
	v41 =	vld [tilespmem:s17+$0x2680]  }
0x14b: {  	v59 =	vadd.s32 $0x300, v5;
	v43 =	vld [tilespmem:s17+$0x2E80]  }
0x14c: {  	v61 =	vadd.s32 $0x480, v5;
	v6 =	vmul.f32 v52, v2;
	v45 =	vld [tilespmem:s17+$0x3680]  }
0x14d: {  	v63 =	vadd.s32 $0x600, v5;
	v8 =	vmul.f32 v53, v2;
	v47 =	vld [tilespmem:s17+$0x3E80]  }
0x14e: {  	v19 =	vadd.s32 $0x780, v5;
	v9 =	vmul.f32 v54, v2;
	[tilespmem:v5+s13+$0x0] =	vst.idx.add.f32.msk vm14, v6  }
0x14f: {  	v20 =	vadd.s32 $0x900, v5;
	v10 =	vmul.f32 v55, v2;
	[tilespmem:v57+s13+$0x0] =	vst.idx.add.f32.msk vm14, v8  }
0x150: {  	v11 =	vmul.f32 v56, v2;
	v5 =	vadd.s32 $0xA80, v5;
	[tilespmem:v59+s13+$0x0] =	vst.idx.add.f32.msk vm14, v9  }
0x151: {  	v21 =	vmul.f32 v58, v2;
	vm4 =	vne.s32 v3, v4;
	[tilespmem:v61+s13+$0x0] =	vst.idx.add.f32.msk vm14, v10  }
0x152: {  	v22 =	vmul.f32 v60, v2;
	[tilespmem:v63+s13+$0x0] =	vst.idx.add.f32.msk vm14, v11  }
0x153: {  	v23 =	vmul.f32 v62, v2;
	[tilespmem:v19+s13+$0x0] =	vst.idx.add.f32.msk vm14, v21  }
0x154: {  	[tilespmem:v20+s13+$0x0] =	vst.idx.add.f32.msk vm14, v22  }
0x155: {  	v6 =	vmul.f32 v24, v1;
	[tilespmem:v5+s13+$0x0] =	vst.idx.add.f32.msk vm14, v23  }
0x156: {  	v5 =	vld [tilespmem:s17+$0x4290]  }
0x157: {  	s29 =	sor.u32 $0x210, s17;
	[tilespmem:v3+s13+$0x0] =	vst.idx.add.f32.msk vm4, v6  }
0x158: {  	v9 =	vld [tilespmem:s29+$0x0]  }
0x159: {  	v10 =	vld [tilespmem:s17+$0xA10]  }
0x15a: {  	v11 =	vld [tilespmem:s17+$0x1210]  }
0x15b: {  	v42 =	vadd.s32 $0x180, v3;
	v12 =	vld [tilespmem:s17+$0x1A10];
	vm15 =	vne.s32 v51, v5  }
0x15c: {  	v26 =	vld [tilespmem:s17+$0x2210]  }
0x15d: {  	v27 =	vadd.s32 $0x180, v51;
	v28 =	vld [tilespmem:s17+$0x2A10]  }
0x15e: {  	v29 =	vadd.s32 $0x300, v51;
	v8 =	vmul.f32 v25, v1;
	v30 =	vld [tilespmem:s17+$0x3210]  }
0x15f: {  	v31 =	vadd.s32 $0x480, v51;
	v32 =	vld [tilespmem:s17+$0x3A10];
	v9 =	vmul.f32 v9, v2  }
0x160: {  	v33 =	vadd.s32 $0x600, v51;
	[tilespmem:v42+s13+$0x0] =	vst.idx.add.f32.msk vm4, v8;
	v10 =	vmul.f32 v10, v2  }
0x161: {  	v34 =	vadd.s32 $0x780, v51;
	v11 =	vmul.f32 v11, v2;
	[tilespmem:v51+s13+$0x0] =	vst.idx.add.f32.msk vm15, v9  }
0x162: {  	v35 =	vadd.s32 $0x900, v51;
	v12 =	vmul.f32 v12, v2;
	[tilespmem:v27+s13+$0x0] =	vst.idx.add.f32.msk vm15, v10  }
0x163: {  	v7 =	vadd.s32 $0xA80, v51;
	v13 =	vmul.f32 v26, v2;
	[tilespmem:v29+s13+$0x0] =	vst.idx.add.f32.msk vm15, v11  }
0x164: {  	v36 =	vmul.f32 v28, v2;
	[tilespmem:v31+s13+$0x0] =	vst.idx.add.f32.msk vm15, v12  }
0x165: {  	v37 =	vmul.f32 v30, v2;
	[tilespmem:v33+s13+$0x0] =	vst.idx.add.f32.msk vm15, v13  }
0x166: {  	v38 =	vmul.f32 v32, v2;
	[tilespmem:v34+s13+$0x0] =	vst.idx.add.f32.msk vm15, v36  }
0x167: {  	[tilespmem:v35+s13+$0x0] =	vst.idx.add.f32.msk vm15, v37  }
0x168: {  	[tilespmem:v7+s13+$0x0] =	vst.idx.add.f32.msk vm15, v38  }
0x169: {  	s30 =	sor.u32 $0x290, s17;
	v54 =	vld [tilespmem:s17+$0x4310]  }
0x16a: {  	v55 =	vld [tilespmem:s30+$0x0]  }
0x16b: {  	v56 =	vld [tilespmem:s17+$0xA90]  }
0x16c: {  	v57 =	vld [tilespmem:s17+$0x1290]  }
0x16d: {  	v44 =	vadd.s32 $0x300, v3;
	v58 =	vld [tilespmem:s17+$0x1A90]  }
0x16e: {  	v46 =	vadd.s32 $0x480, v3;
	v59 =	vld [tilespmem:s17+$0x2290]  }
0x16f: {  	v48 =	vadd.s32 $0x600, v3;
	v61 =	vld [tilespmem:s17+$0x2A90]  }
0x170: {  	v49 =	vadd.s32 $0x780, v3;
	v7 =	vmul.f32 v39, v1;
	v63 =	vld [tilespmem:s17+$0x3290]  }
0x171: {  	v50 =	vadd.s32 $0x900, v3;
	v9 =	vmul.f32 v40, v1;
	v22 =	vld [tilespmem:s17+$0x3A90]  }
0x172: {  	v3 =	vadd.s32 $0xA80, v3;
	v10 =	vmul.f32 v41, v1;
	[tilespmem:v44+s13+$0x0] =	vst.idx.add.f32.msk vm4, v7  }
0x173: {  	v51 =	vmul.f32 v43, v1;
	[tilespmem:v46+s13+$0x0] =	vst.idx.add.f32.msk vm4, v9  }
0x174: {  	v52 =	vmul.f32 v45, v1;
	[tilespmem:v48+s13+$0x0] =	vst.idx.add.f32.msk vm4, v10  }
0x175: {  	v53 =	vmul.f32 v47, v1;
	[tilespmem:v49+s13+$0x0] =	vst.idx.add.f32.msk vm4, v51  }
0x176: {  	[tilespmem:v50+s13+$0x0] =	vst.idx.add.f32.msk vm4, v52  }
0x177: {  	[tilespmem:v3+s13+$0x0] =	vst.idx.add.f32.msk vm4, v53  }
0x178: {  	s31 =	sor.u32 $0x700, s17;
	v3 =	vld [tilespmem:s17+$0x4780]  }
0x179: {  	v29 =	vld [tilespmem:s31+$0x0]  }
0x17a: {  	v30 =	vld [tilespmem:s17+$0xF00]  }
0x17b: {  	vm5 =	vne.s32 v5, v54;
	v44 =	vld [tilespmem:s17+$0x1700]  }
0x17c: {  	v45 =	vld [tilespmem:s17+$0x1F00]  }
0x17d: {  	v60 =	vadd.s32 $0x180, v5;
	v46 =	vld [tilespmem:s17+$0x2700]  }
0x17e: {  	v62 =	vadd.s32 $0x300, v5;
	v48 =	vld [tilespmem:s17+$0x2F00]  }
0x17f: {  	v21 =	vadd.s32 $0x480, v5;
	v6 =	vmul.f32 v55, v2;
	v50 =	vld [tilespmem:s17+$0x3700]  }
0x180: {  	v23 =	vadd.s32 $0x600, v5;
	v8 =	vmul.f32 v56, v2;
	v52 =	vld [tilespmem:s17+$0x3F00]  }
0x181: {  	v24 =	vadd.s32 $0x780, v5;
	v9 =	vmul.f32 v57, v2;
	[tilespmem:v5+s13+$0x0] =	vst.idx.add.f32.msk vm5, v6  }
0x182: {  	v25 =	vadd.s32 $0x900, v5;
	v10 =	vmul.f32 v58, v2;
	[tilespmem:v60+s13+$0x0] =	vst.idx.add.f32.msk vm5, v8  }
0x183: {  	v11 =	vmul.f32 v59, v2;
	v5 =	vadd.s32 $0xA80, v5;
	[tilespmem:v62+s13+$0x0] =	vst.idx.add.f32.msk vm5, v9  }
0x184: {  	v26 =	vmul.f32 v61, v2;
	vm7 =	vne.s32 v4, v3;
	[tilespmem:v21+s13+$0x0] =	vst.idx.add.f32.msk vm5, v10  }
0x185: {  	v27 =	vmul.f32 v63, v2;
	[tilespmem:v23+s13+$0x0] =	vst.idx.add.f32.msk vm5, v11  }
0x186: {  	v28 =	vmul.f32 v22, v2;
	[tilespmem:v24+s13+$0x0] =	vst.idx.add.f32.msk vm5, v26  }
0x187: {  	[tilespmem:v25+s13+$0x0] =	vst.idx.add.f32.msk vm5, v27  }
0x188: {  	v6 =	vmul.f32 v29, v1;
	[tilespmem:v5+s13+$0x0] =	vst.idx.add.f32.msk vm5, v28  }
0x189: {  	v5 =	vld [tilespmem:s17+$0x4390]  }
0x18a: {  	s19 =	sor.u32 $0x310, s17;
	[tilespmem:v4+s13+$0x0] =	vst.idx.add.f32.msk vm7, v6  }
0x18b: {  	v9 =	vld [tilespmem:s19+$0x0]  }
0x18c: {  	v10 =	vld [tilespmem:s17+$0xB10]  }
0x18d: {  	v11 =	vld [tilespmem:s17+$0x1310]  }
0x18e: {  	v47 =	vadd.s32 $0x180, v4;
	v12 =	vld [tilespmem:s17+$0x1B10];
	vm6 =	vne.s32 v54, v5  }
0x18f: {  	v31 =	vld [tilespmem:s17+$0x2310]  }
0x190: {  	v32 =	vadd.s32 $0x180, v54;
	v33 =	vld [tilespmem:s17+$0x2B10]  }
0x191: {  	v34 =	vadd.s32 $0x300, v54;
	v8 =	vmul.f32 v30, v1;
	v35 =	vld [tilespmem:s17+$0x3310]  }
0x192: {  	v36 =	vadd.s32 $0x480, v54;
	v37 =	vld [tilespmem:s17+$0x3B10];
	v9 =	vmul.f32 v9, v2  }
0x193: {  	v38 =	vadd.s32 $0x600, v54;
	[tilespmem:v47+s13+$0x0] =	vst.idx.add.f32.msk vm7, v8;
	v10 =	vmul.f32 v10, v2  }
0x194: {  	v39 =	vadd.s32 $0x780, v54;
	v11 =	vmul.f32 v11, v2;
	[tilespmem:v54+s13+$0x0] =	vst.idx.add.f32.msk vm6, v9  }
0x195: {  	v40 =	vadd.s32 $0x900, v54;
	v12 =	vmul.f32 v12, v2;
	[tilespmem:v32+s13+$0x0] =	vst.idx.add.f32.msk vm6, v10  }
0x196: {  	v7 =	vadd.s32 $0xA80, v54;
	v13 =	vmul.f32 v31, v2;
	[tilespmem:v34+s13+$0x0] =	vst.idx.add.f32.msk vm6, v11  }
0x197: {  	v41 =	vmul.f32 v33, v2;
	[tilespmem:v36+s13+$0x0] =	vst.idx.add.f32.msk vm6, v12  }
0x198: {  	v42 =	vmul.f32 v35, v2;
	[tilespmem:v38+s13+$0x0] =	vst.idx.add.f32.msk vm6, v13  }
0x199: {  	v43 =	vmul.f32 v37, v2;
	[tilespmem:v39+s13+$0x0] =	vst.idx.add.f32.msk vm6, v41  }
0x19a: {  	[tilespmem:v40+s13+$0x0] =	vst.idx.add.f32.msk vm6, v42  }
0x19b: {  	[tilespmem:v7+s13+$0x0] =	vst.idx.add.f32.msk vm6, v43  }
0x19c: {  	s21 =	sor.u32 $0x390, s17;
	v59 =	vld [tilespmem:s17+$0x4410]  }
0x19d: {  	v60 =	vld [tilespmem:s21+$0x0]  }
0x19e: {  	v61 =	vld [tilespmem:s17+$0xB90]  }
0x19f: {  	v62 =	vld [tilespmem:s17+$0x1390]  }
0x1a0: {  	v49 =	vadd.s32 $0x300, v4;
	v63 =	vld [tilespmem:s17+$0x1B90]  }
0x1a1: {  	v51 =	vadd.s32 $0x480, v4;
	v21 =	vld [tilespmem:s17+$0x2390]  }
0x1a2: {  	v53 =	vadd.s32 $0x600, v4;
	v23 =	vld [tilespmem:s17+$0x2B90]  }
0x1a3: {  	v54 =	vadd.s32 $0x780, v4;
	v7 =	vmul.f32 v44, v1;
	v25 =	vld [tilespmem:s17+$0x3390]  }
0x1a4: {  	v55 =	vadd.s32 $0x900, v4;
	v9 =	vmul.f32 v45, v1;
	v27 =	vld [tilespmem:s17+$0x3B90]  }
0x1a5: {  	v4 =	vadd.s32 $0xA80, v4;
	v10 =	vmul.f32 v46, v1;
	[tilespmem:v49+s13+$0x0] =	vst.idx.add.f32.msk vm7, v7  }
0x1a6: {  	v56 =	vmul.f32 v48, v1;
	[tilespmem:v51+s13+$0x0] =	vst.idx.add.f32.msk vm7, v9;
	vm8 =	vne.s32 v5, v59  }
0x1a7: {  	v57 =	vmul.f32 v50, v1;
	[tilespmem:v53+s13+$0x0] =	vst.idx.add.f32.msk vm7, v10  }
0x1a8: {  	v58 =	vmul.f32 v52, v1;
	v22 =	vadd.s32 $0x180, v5;
	[tilespmem:v54+s13+$0x0] =	vst.idx.add.f32.msk vm7, v56  }
0x1a9: {  	v24 =	vadd.s32 $0x300, v5;
	[tilespmem:v55+s13+$0x0] =	vst.idx.add.f32.msk vm7, v57  }
0x1aa: {  	s20 =	sor.u32 $0x780, s17;
	v26 =	vadd.s32 $0x480, v5;
	[tilespmem:v4+s13+$0x0] =	vst.idx.add.f32.msk vm7, v58;
	v4 =	vmul.f32 v60, v2  }
0x1ab: {  	v28 =	vadd.s32 $0x600, v5;
	v6 =	vmul.f32 v61, v2;
	v7 =	vld [tilespmem:s20+$0x0]  }
0x1ac: {  	v29 =	vadd.s32 $0x780, v5;
	v9 =	vmul.f32 v62, v2;
	[tilespmem:v5+s13+$0x0] =	vst.idx.add.f32.msk vm8, v4  }
0x1ad: {  	v30 =	vadd.s32 $0x900, v5;
	v10 =	vmul.f32 v63, v2;
	[tilespmem:v22+s13+$0x0] =	vst.idx.add.f32.msk vm8, v6  }
0x1ae: {  	v11 =	vmul.f32 v21, v2;
	v5 =	vadd.s32 $0xA80, v5;
	[tilespmem:v24+s13+$0x0] =	vst.idx.add.f32.msk vm8, v9  }
0x1af: {  	v31 =	vmul.f32 v23, v2;
	[tilespmem:v26+s13+$0x0] =	vst.idx.add.f32.msk vm8, v10  }
0x1b0: {  	v32 =	vmul.f32 v25, v2;
	[tilespmem:v28+s13+$0x0] =	vst.idx.add.f32.msk vm8, v11  }
0x1b1: {  	v33 =	vmul.f32 v27, v2;
	[tilespmem:v29+s13+$0x0] =	vst.idx.add.f32.msk vm8, v31  }
0x1b2: {  	[tilespmem:v30+s13+$0x0] =	vst.idx.add.f32.msk vm8, v32  }
0x1b3: {  	[tilespmem:v5+s13+$0x0] =	vst.idx.add.f32.msk vm8, v33  }
0x1b4: {  	v4 =	vld [tilespmem:s17+$0x4490]  }
0x1b5: {  	v34 =	vld [tilespmem:s17+$0xF80]  }
0x1b6: {  	s22 =	sor.u32 $0x410, s17;
	v6 =	vld [tilespmem:s17+$0x1780]  }
0x1b7: {  	v5 =	vld [tilespmem:s22+$0x0]  }
0x1b8: {  	v10 =	vld [tilespmem:s17+$0xC10]  }
0x1b9: {  	v11 =	vld [tilespmem:s17+$0x1410];
	vm9 =	vne.s32 v59, v4  }
0x1ba: {  	v12 =	vld [tilespmem:s17+$0x1C10]  }
0x1bb: {  	v36 =	vadd.s32 $0x180, v59;
	v35 =	vld [tilespmem:s17+$0x2410]  }
0x1bc: {  	v38 =	vadd.s32 $0x300, v59;
	v37 =	vld [tilespmem:s17+$0x2C10]  }
0x1bd: {  	v40 =	vadd.s32 $0x480, v59;
	v39 =	vld [tilespmem:s17+$0x3410];
	v5 =	vmul.f32 v5, v2  }
0x1be: {  	v42 =	vadd.s32 $0x600, v59;
	v41 =	vld [tilespmem:s17+$0x3C10];
	v10 =	vmul.f32 v10, v2  }
0x1bf: {  	v43 =	vadd.s32 $0x780, v59;
	v11 =	vmul.f32 v11, v2;
	[tilespmem:v59+s13+$0x0] =	vst.idx.add.f32.msk vm9, v5  }
0x1c0: {  	v44 =	vadd.s32 $0x900, v59;
	v12 =	vmul.f32 v12, v2;
	[tilespmem:v36+s13+$0x0] =	vst.idx.add.f32.msk vm9, v10  }
0x1c1: {  	v8 =	vadd.s32 $0xA80, v59;
	v13 =	vmul.f32 v35, v2;
	[tilespmem:v38+s13+$0x0] =	vst.idx.add.f32.msk vm9, v11  }
0x1c2: {  	v45 =	vmul.f32 v37, v2;
	[tilespmem:v40+s13+$0x0] =	vst.idx.add.f32.msk vm9, v12  }
0x1c3: {  	v46 =	vmul.f32 v39, v2;
	[tilespmem:v42+s13+$0x0] =	vst.idx.add.f32.msk vm9, v13  }
0x1c4: {  	v47 =	vmul.f32 v41, v2;
	[tilespmem:v43+s13+$0x0] =	vst.idx.add.f32.msk vm9, v45  }
0x1c5: {  	[tilespmem:v44+s13+$0x0] =	vst.idx.add.f32.msk vm9, v46  }
0x1c6: {  	[tilespmem:v8+s13+$0x0] =	vst.idx.add.f32.msk vm9, v47  }
0x1c7: {  	v10 =	vld [tilespmem:s17+$0x4510]  }
0x1c8: {  	v5 =	vld [tilespmem:s17+$0x2780]  }
0x1c9: {  	s23 =	sor.u32 $0x490, s17;
	v11 =	vld [tilespmem:s17+$0x1F80]  }
0x1ca: {  	v8 =	vld [tilespmem:s23+$0x0]  }
0x1cb: {  	v12 =	vld [tilespmem:s17+$0xC90]  }
0x1cc: {  	v13 =	vld [tilespmem:s17+$0x1490];
	vm10 =	vne.s32 v4, v10  }
0x1cd: {  	v14 =	vld [tilespmem:s17+$0x1C90]  }
0x1ce: {  	v49 =	vadd.s32 $0x180, v4;
	v48 =	vld [tilespmem:s17+$0x2490]  }
0x1cf: {  	v51 =	vadd.s32 $0x300, v4;
	v50 =	vld [tilespmem:s17+$0x2C90]  }
0x1d0: {  	v53 =	vadd.s32 $0x480, v4;
	v52 =	vld [tilespmem:s17+$0x3490];
	v8 =	vmul.f32 v8, v2  }
0x1d1: {  	v22 =	vadd.s32 $0x600, v4;
	v21 =	vld [tilespmem:s17+$0x3C90];
	v12 =	vmul.f32 v12, v2  }
0x1d2: {  	v54 =	vadd.s32 $0x780, v4;
	v13 =	vmul.f32 v13, v2;
	[tilespmem:v4+s13+$0x0] =	vst.idx.add.f32.msk vm10, v8  }
0x1d3: {  	v55 =	vadd.s32 $0x900, v4;
	v14 =	vmul.f32 v14, v2;
	[tilespmem:v49+s13+$0x0] =	vst.idx.add.f32.msk vm10, v12  }
0x1d4: {  	v15 =	vmul.f32 v48, v2;
	v4 =	vadd.s32 $0xA80, v4;
	[tilespmem:v51+s13+$0x0] =	vst.idx.add.f32.msk vm10, v13  }
0x1d5: {  	v56 =	vmul.f32 v50, v2;
	[tilespmem:v53+s13+$0x0] =	vst.idx.add.f32.msk vm10, v14  }
0x1d6: {  	v57 =	vmul.f32 v52, v2;
	[tilespmem:v22+s13+$0x0] =	vst.idx.add.f32.msk vm10, v15  }
0x1d7: {  	v58 =	vmul.f32 v21, v2;
	[tilespmem:v54+s13+$0x0] =	vst.idx.add.f32.msk vm10, v56  }
0x1d8: {  	[tilespmem:v55+s13+$0x0] =	vst.idx.add.f32.msk vm10, v57  }
0x1d9: {  	[tilespmem:v4+s13+$0x0] =	vst.idx.add.f32.msk vm10, v58  }
0x1da: {  	v12 =	vld [tilespmem:s17+$0x4590]  }
0x1db: {  	v13 =	vld [tilespmem:s17+$0x2F80]  }
0x1dc: {  	s24 =	sor.u32 $0x510, s17;
	v4 =	vld [tilespmem:s17+$0x3780]  }
0x1dd: {  	v8 =	vld [tilespmem:s24+$0x0]  }
0x1de: {  	v14 =	vld [tilespmem:s17+$0xD10]  }
0x1df: {  	v15 =	vld [tilespmem:s17+$0x1510];
	vm11 =	vne.s32 v10, v12  }
0x1e0: {  	v16 =	vld [tilespmem:s17+$0x1D10]  }
0x1e1: {  	v59 =	vld [tilespmem:s17+$0x2510]  }
0x1e2: {  	v60 =	vadd.s32 $0x180, v10;
	v61 =	vld [tilespmem:s17+$0x2D10]  }
0x1e3: {  	v62 =	vadd.s32 $0x300, v10;
	v63 =	vld [tilespmem:s17+$0x3510];
	v8 =	vmul.f32 v8, v2  }
0x1e4: {  	v23 =	vadd.s32 $0x480, v10;
	v22 =	vld [tilespmem:s17+$0x3D10]  }
0x1e5: {  	v24 =	vadd.s32 $0x600, v10;
	v14 =	vmul.f32 v14, v2;
	[tilespmem:v10+s13+$0x0] =	vst.idx.add.f32.msk vm11, v8  }
0x1e6: {  	v26 =	vadd.s32 $0x780, v10;
	v15 =	vmul.f32 v15, v2;
	v8 =	vld [tilespmem:s17+$0x3F80]  }
0x1e7: {  	v27 =	vadd.s32 $0x900, v10;
	v16 =	vmul.f32 v16, v2;
	[tilespmem:v60+s13+$0x0] =	vst.idx.add.f32.msk vm11, v14  }
0x1e8: {  	v17 =	vmul.f32 v59, v2;
	v10 =	vadd.s32 $0xA80, v10;
	[tilespmem:v62+s13+$0x0] =	vst.idx.add.f32.msk vm11, v15  }
0x1e9: {  	v28 =	vmul.f32 v61, v2;
	[tilespmem:v23+s13+$0x0] =	vst.idx.add.f32.msk vm11, v16  }
0x1ea: {  	v29 =	vmul.f32 v63, v2;
	[tilespmem:v24+s13+$0x0] =	vst.idx.add.f32.msk vm11, v17  }
0x1eb: {  	v30 =	vadd.s32 $0x180, v3;
	v31 =	vmul.f32 v22, v2;
	[tilespmem:v26+s13+$0x0] =	vst.idx.add.f32.msk vm11, v28  }
0x1ec: {  	[tilespmem:v27+s13+$0x0] =	vst.idx.add.f32.msk vm11, v29  }
0x1ed: {  	v7 =	vmul.f32 v7, v1;
	[tilespmem:v10+s13+$0x0] =	vst.idx.add.f32.msk vm11, v31  }
0x1ee: {  	v9 =	vmul.f32 v34, v1;
	v10 =	vld [tilespmem:s17+$0x4610]  }
0x1ef: {  	[tilespmem:v3+s13+$0x0] =	vst.idx.add.f32.msk $0xffff, v7  }
0x1f0: {  	s25 =	sor.u32 $0x590, s17;
	[tilespmem:v30+s13+$0x0] =	vst.idx.add.f32.msk $0xffff, v9  }
0x1f1: {  	v32 =	vld [tilespmem:s25+$0x0]  }
0x1f2: {  	v33 =	vld [tilespmem:s17+$0xD90]  }
0x1f3: {  	v14 =	vld [tilespmem:s17+$0x1590];
	vm12 =	vne.s32 v12, v10  }
0x1f4: {  	v15 =	vld [tilespmem:s17+$0x1D90]  }
0x1f5: {  	v34 =	vadd.s32 $0x180, v12;
	v16 =	vld [tilespmem:s17+$0x2590]  }
0x1f6: {  	v35 =	vadd.s32 $0x300, v12;
	v18 =	vld [tilespmem:s17+$0x2D90]  }
0x1f7: {  	v36 =	vadd.s32 $0x480, v12;
	v20 =	vld [tilespmem:s17+$0x3590];
	v7 =	vmul.f32 v32, v2  }
0x1f8: {  	v38 =	vadd.s32 $0x600, v12;
	v37 =	vld [tilespmem:s17+$0x3D90];
	v9 =	vmul.f32 v33, v2  }
0x1f9: {  	v39 =	vadd.s32 $0x780, v12;
	v14 =	vmul.f32 v14, v2;
	[tilespmem:v12+s13+$0x0] =	vst.idx.add.f32.msk vm12, v7  }
0x1fa: {  	v41 =	vadd.s32 $0x900, v12;
	v40 =	vmul.f32 v15, v2;
	[tilespmem:v34+s13+$0x0] =	vst.idx.add.f32.msk vm12, v9  }
0x1fb: {  	v42 =	vmul.f32 v16, v2;
	v12 =	vadd.s32 $0xA80, v12;
	[tilespmem:v35+s13+$0x0] =	vst.idx.add.f32.msk vm12, v14  }
0x1fc: {  	v43 =	vmul.f32 v18, v2;
	[tilespmem:v36+s13+$0x0] =	vst.idx.add.f32.msk vm12, v40  }
0x1fd: {  	v44 =	vadd.s32 $0x300, v3;
	v45 =	vmul.f32 v20, v2;
	[tilespmem:v38+s13+$0x0] =	vst.idx.add.f32.msk vm12, v42  }
0x1fe: {  	v46 =	vadd.s32 $0x480, v3;
	v47 =	vmul.f32 v37, v2;
	[tilespmem:v39+s13+$0x0] =	vst.idx.add.f32.msk vm12, v43  }
0x1ff: {  	[tilespmem:v41+s13+$0x0] =	vst.idx.add.f32.msk vm12, v45  }
0x200: {  	v6 =	vmul.f32 v6, v1;
	[tilespmem:v12+s13+$0x0] =	vst.idx.add.f32.msk vm12, v47  }
0x201: {  	v48 =	vmul.f32 v11, v1;
	v49 =	vld [tilespmem:s17+$0x4690]  }
0x202: {  	[tilespmem:v44+s13+$0x0] =	vst.idx.add.f32.msk $0xffff, v6  }
0x203: {  	s26 =	sor.u32 $0x610, s17;
	[tilespmem:v46+s13+$0x0] =	vst.idx.add.f32.msk $0xffff, v48  }
0x204: {  	v50 =	vld [tilespmem:s26+$0x0]  }
0x205: {  	v51 =	vld [tilespmem:s17+$0xE10]  }
0x206: {  	v52 =	vld [tilespmem:s17+$0x1610];
	vm13 =	vne.s32 v10, v49  }
0x207: {  	v12 =	vld [tilespmem:s17+$0x1E10]  }
0x208: {  	v54 =	vadd.s32 $0x180, v10;
	v53 =	vld [tilespmem:s17+$0x2610]  }
0x209: {  	v55 =	vadd.s32 $0x300, v10;
	v16 =	vld [tilespmem:s17+$0x2E10]  }
0x20a: {  	v56 =	vadd.s32 $0x480, v10;
	v18 =	vld [tilespmem:s17+$0x3610];
	v6 =	vmul.f32 v50, v2  }
0x20b: {  	v58 =	vadd.s32 $0x600, v10;
	v57 =	vld [tilespmem:s17+$0x3E10];
	v7 =	vmul.f32 v51, v2  }
0x20c: {  	v59 =	vadd.s32 $0x780, v10;
	v9 =	vmul.f32 v52, v2;
	[tilespmem:v10+s13+$0x0] =	vst.idx.add.f32.msk vm13, v6  }
0x20d: {  	v61 =	vadd.s32 $0x900, v10;
	v60 =	vmul.f32 v12, v2;
	[tilespmem:v54+s13+$0x0] =	vst.idx.add.f32.msk vm13, v7  }
0x20e: {  	v62 =	vmul.f32 v53, v2;
	v10 =	vadd.s32 $0xA80, v10;
	[tilespmem:v55+s13+$0x0] =	vst.idx.add.f32.msk vm13, v9  }
0x20f: {  	v63 =	vmul.f32 v16, v2;
	[tilespmem:v56+s13+$0x0] =	vst.idx.add.f32.msk vm13, v60  }
0x210: {  	v22 =	vadd.s32 $0x600, v3;
	v23 =	vmul.f32 v18, v2;
	[tilespmem:v58+s13+$0x0] =	vst.idx.add.f32.msk vm13, v62  }
0x211: {  	v24 =	vadd.s32 $0x780, v3;
	v25 =	vmul.f32 v57, v2;
	[tilespmem:v59+s13+$0x0] =	vst.idx.add.f32.msk vm13, v63  }
0x212: {  	[tilespmem:v61+s13+$0x0] =	vst.idx.add.f32.msk vm13, v23  }
0x213: {  	v5 =	vmul.f32 v5, v1;
	[tilespmem:v10+s13+$0x0] =	vst.idx.add.f32.msk vm13, v25  }
0x214: {  	v26 =	vmul.f32 v13, v1;
	v10 =	vld [tilespmem:s17+$0x4710]  }
0x215: {  	[tilespmem:v22+s13+$0x0] =	vst.idx.add.f32.msk $0xffff, v5  }
0x216: {  	s28 =	sor.u32 $0x690, s17;
	[tilespmem:v24+s13+$0x0] =	vst.idx.add.f32.msk $0xffff, v26  }
0x217: {  	v27 =	vld [tilespmem:s28+$0x0]  }
0x218: {  	v28 =	vld [tilespmem:s17+$0xE90]  }
0x219: {  	v29 =	vld [tilespmem:s17+$0x1690];
	vm14 =	vne.s32 v49, v10  }
0x21a: {  	v30 =	vld [tilespmem:s17+$0x1E90]  }
0x21b: {  	v31 =	vadd.s32 $0x180, v49;
	v12 =	vld [tilespmem:s17+$0x2690]  }
0x21c: {  	v32 =	vadd.s32 $0x300, v49;
	v14 =	vld [tilespmem:s17+$0x2E90]  }
0x21d: {  	v33 =	vadd.s32 $0x480, v49;
	v16 =	vld [tilespmem:s17+$0x3690];
	v5 =	vmul.f32 v27, v2  }
0x21e: {  	v35 =	vadd.s32 $0x600, v49;
	v34 =	vld [tilespmem:s17+$0x3E90];
	v6 =	vmul.f32 v28, v2  }
0x21f: {  	v36 =	vadd.s32 $0x780, v49;
	v7 =	vmul.f32 v29, v2;
	[tilespmem:v49+s13+$0x0] =	vst.idx.add.f32.msk vm14, v5  }
0x220: {  	v38 =	vadd.s32 $0x900, v49;
	v37 =	vmul.f32 v30, v2;
	[tilespmem:v31+s13+$0x0] =	vst.idx.add.f32.msk vm14, v6  }
0x221: {  	v11 =	vadd.s32 $0xA80, v49;
	v39 =	vmul.f32 v12, v2;
	[tilespmem:v32+s13+$0x0] =	vst.idx.add.f32.msk vm14, v7  }
0x222: {  	v40 =	vmul.f32 v14, v2;
	[tilespmem:v33+s13+$0x0] =	vst.idx.add.f32.msk vm14, v37  }
0x223: {  	v41 =	vadd.s32 $0x900, v3;
	v42 =	vmul.f32 v16, v2;
	[tilespmem:v35+s13+$0x0] =	vst.idx.add.f32.msk vm14, v39  }
0x224: {  	v3 =	vadd.s32 $0xA80, v3;
	v43 =	vmul.f32 v34, v2;
	[tilespmem:v36+s13+$0x0] =	vst.idx.add.f32.msk vm14, v40  }
0x225: {  	[tilespmem:v38+s13+$0x0] =	vst.idx.add.f32.msk vm14, v42  }
0x226: {  	v4 =	vmul.f32 v4, v1;
	[tilespmem:v11+s13+$0x0] =	vst.idx.add.f32.msk vm14, v43  }
0x227: {  	v1 =	vmul.f32 v8, v1;
	v5 =	vld [tilespmem:s17+$0x4790]  }
0x228: {  	[tilespmem:v41+s13+$0x0] =	vst.idx.add.f32.msk $0xffff, v4  }
0x229: {  	s29 =	sor.u32 $0x710, s17;
	[tilespmem:v3+s13+$0x0] =	vst.idx.add.f32.msk $0xffff, v1  }
0x22a: {  	v1 =	vld [tilespmem:s29+$0x0]  }
0x22b: {  	v3 =	vld [tilespmem:s17+$0xF10]  }
0x22c: {  	v44 =	vld [tilespmem:s17+$0x1710];
	vm15 =	vne.s32 v10, v5  }
0x22d: {  	v6 =	vld [tilespmem:s17+$0x1F10]  }
0x22e: {  	v45 =	vadd.s32 $0x180, v10;
	v7 =	vld [tilespmem:s17+$0x2710]  }
0x22f: {  	v46 =	vadd.s32 $0x300, v10;
	v9 =	vld [tilespmem:s17+$0x2F10]  }
0x230: {  	v48 =	vadd.s32 $0x480, v10;
	v47 =	vld [tilespmem:s17+$0x3710];
	v1 =	vmul.f32 v1, v2  }
0x231: {  	v50 =	vadd.s32 $0x600, v10;
	v49 =	vld [tilespmem:s17+$0x3F10];
	v3 =	vmul.f32 v3, v2  }
0x232: {  	v4 =	vmul.f32 v44, v2;
	[tilespmem:v10+s13+$0x0] =	vst.idx.add.f32.msk vm15, v1;
	v1 =	vadd.s32 $0x780, v10  }
0x233: {  	v51 =	vadd.s32 $0x900, v10;
	[tilespmem:v45+s13+$0x0] =	vst.idx.add.f32.msk vm15, v3;
	v3 =	vmul.f32 v6, v2  }
0x234: {  	v53 =	vadd.s32 $0xA80, v10;
	v52 =	vmul.f32 v7, v2;
	[tilespmem:v46+s13+$0x0] =	vst.idx.add.f32.msk vm15, v4  }
0x235: {  	v54 =	vmul.f32 v9, v2;
	[tilespmem:v48+s13+$0x0] =	vst.idx.add.f32.msk vm15, v3  }
0x236: {  	v3 =	vmul.f32 v47, v2;
	[tilespmem:v50+s13+$0x0] =	vst.idx.add.f32.msk vm15, v52  }
0x237: {  	v55 =	vmul.f32 v49, v2;
	[tilespmem:v1+s13+$0x0] =	vst.idx.add.f32.msk vm15, v54  }
0x238: {  	[tilespmem:v51+s13+$0x0] =	vst.idx.add.f32.msk vm15, v3  }
0x239: {  	s30 =	sor.u32 $0x790, s17;
	[tilespmem:v53+s13+$0x0] =	vst.idx.add.f32.msk vm15, v55  }
0x23a: {  	v1 =	vld [tilespmem:s30+$0x0]  }
0x23b: {  	v3 =	vld [tilespmem:s17+$0xF90]  }
0x23c: {  	v4 =	vld [tilespmem:s17+$0x1790]  }
0x23d: {  	v6 =	vld [tilespmem:s17+$0x1F90]  }
0x23e: {  	v56 =	vadd.s32 $0x180, v5;
	v7 =	vld [tilespmem:s17+$0x2790]  }
0x23f: {  	v58 =	vadd.s32 $0x300, v5;
	v57 =	vld [tilespmem:s17+$0x2F90]  }
0x240: {  	v59 =	vadd.s32 $0x480, v5;
	v11 =	vld [tilespmem:s17+$0x3790];
	v1 =	vmul.f32 v1, v2  }
0x241: {  	v60 =	vadd.s32 $0x600, v5;
	v13 =	vld [tilespmem:s17+$0x3F90];
	v3 =	vmul.f32 v3, v2  }
0x242: {  	v4 =	vmul.f32 v4, v2;
	[tilespmem:v5+s13+$0x0] =	vst.idx.add.f32.msk $0xffff, v1;
	v1 =	vadd.s32 $0x780, v5  }
0x243: {  	v61 =	vadd.s32 $0x900, v5;
	[tilespmem:v56+s13+$0x0] =	vst.idx.add.f32.msk $0xffff, v3;
	v3 =	vmul.f32 v6, v2  }
0x244: {  	p0 =	slt.u32 s16, $0x6;
	v62 =	vmul.f32 v7, v2;
	v5 =	vadd.s32 $0xA80, v5;
	[tilespmem:v58+s13+$0x0] =	vst.idx.add.f32.msk $0xffff, v4  }
.Ltmp1:
0x245: {  	v63 =	vmul.f32 v57, v2;
	[tilespmem:v59+s13+$0x0] =	vst.idx.add.f32.msk $0xffff, v3;
	(pc) =	sbr.rel @p0 .LBB2_4-.Ltmp1, $4  }
0x246: {  	v3 =	vmul.f32 v11, v2;
	[tilespmem:v60+s13+$0x0] =	vst.idx.add.f32.msk $0xffff, v62  }
0x247: {  	v2 =	vmul.f32 v13, v2;
	[tilespmem:v1+s13+$0x0] =	vst.idx.add.f32.msk $0xffff, v63  }
0x248: {  	s31 =	sadd.s32 $0x2, s16;
	[tilespmem:v61+s13+$0x0] =	vst.idx.add.f32.msk $0xffff, v3  }
0x249: {  	s16 =	smov.u32 s31;
	[tilespmem:v5+s13+$0x0] =	vst.idx.add.f32.msk $0xffff, v2  }
0x24a: {  	s15 =	sadd.s32 $0x1, s15  }
0x24b: {  	p0 =	sne.s32 s15, s7  }
.Ltmp2:
0x24c: {  	_ = 	snop;
	(pc) =	sbr.rel @p0 .LBB2_1-.Ltmp2, $4  }
0x24d: {  	[hbm4b:s6+s2] =	stream.linear.scatter [tilespmem:s13], [sflag:$0x2], $0xC00, $0x38;
	[tilespmem:$0x5480] =	vst v63  }
0x24e: {  	_ =	swait.ge [sflag:s14], $0xC00  }
0x24f: {  	[sflag:s14] =	ssyncset.done $0x0  }
0x250: {  	[sflag:s14] =	ssyncadd.s32 $0xFFFFF400  }
0x251: {  	_ =	sfence.sel $0x180000  }
0x252: {  	[bflag:$0x0] =	sbarrier.arrive $0xFFFF  }
0x253: {  	p0 =	sne.s32 s1, $0x0;
	_ =	strace $0x90000047  }
0x254: {  	s0 =	sadd.s32 @!p0 $0x100000, s0;
	[bflag:$0x2] =	sbarrier.arrive $0xFFFF  }
0x255: {  	[sflag:s0] =	ssyncadd.tile.s32 @!p0 $0x1;
	_ =	shalt  }
.Lfunc_end2:
_tile_overlayer_lowered:
.L_overlay_start_2:
0x256: {  	(tag) =	ssettag $0x2  }
0x257: {  	s0 =	rddreg [dreg:$0x0];
	s2 =	stileid.u32  }
0x258: {  	s1 =	rddreg [dreg:$0x1];
	p0 =	sne.s32 s2, $0x0  }
0x259: {  	s3 =	rddreg [dreg:$0x2];
	[bflag:$0x3] =	sbarrier.arrive $0xFFFF;
	s2 =	simm.s32 @!p0 $0x1C02  }
0x25a: {  	[timem:s3], [sflag:s2] =	dma.local @!p0 [hbm:s0], s1  }
0x25b: {  	s0 =	simm.s32 @!p0 $0x2  }
0x25c: {  	_ =	swait.ge @!p0 [sflag:s0], s1  }
0x25d: {  	s1 =	ssub.s32 @!p0 $0x0, s1;
	[sflag:s0] =	ssyncset.done @!p0 $0x0  }
0x25e: {  	[sflag:s0] =	ssyncadd.s32 @!p0 s1  }
0x25f: {  	[bflag:$0x3] =	sbarrier.arrive $0xFFFF  }
0x260: {  	_ =	shalt  }

</sc_bundles>
